<compile_context>
chip_gen: v7x
topology: tpu7x:2x2x1
jax: 0.10.2.dev20260603
libtpu: 0.0.44.dev20260713+nightly
codegen_flags: <defaults>
</compile_context>

<pallas_src>
import functools

import jax
import jax.numpy as jnp
from jax import lax
from jax.experimental import pallas as pl
from jax.experimental.pallas import tpu as pltpu
from jax.experimental.pallas import tpu_sc as plsc

VOCAB = 1001
VOCAB_PAD = 1024
EMB = 32
LAYERS0 = 256
LAYERS1 = 128
D_OUT = 64
D_PAD = 128
BATCH = 16384

NUM_CORES = 2
NUM_SUBCORES = 16
NW = NUM_CORES * NUM_SUBCORES
B_PER_W = BATCH // NW
CHUNK = 128
NCHUNK = B_PER_W // CHUNK
LANES = 16


def _mlp_body(tabt_ref, w1_ref, b1_ref, w2_ref, b2_ref, w3t_ref, b3_ref, out_ref):
    dn0 = (((0,), (0,)), ((), ()))
    h = jax.lax.dot_general(
        w1_ref[...], tabt_ref[...], dn0, preferred_element_type=jnp.float32
    )
    h = jnp.maximum(h + b1_ref[...][:, None], 0.0)
    h = jax.lax.dot_general(
        w2_ref[...], h, dn0, preferred_element_type=jnp.float32
    )
    h = jnp.maximum(h + b2_ref[...][:, None], 0.0)
    h = jnp.dot(w3t_ref[...], h, preferred_element_type=jnp.float32)
    h = h + b3_ref[...][:, None]
    out_ref[:, pl.ds(0, D_OUT)] = h.T


def _mlp_table(tab, W1, b1, W2, b2, W3, b3):
    return pl.pallas_call(
        _mlp_body,
        grid=(1,),
        in_specs=[
            pl.BlockSpec((EMB, VOCAB_PAD), lambda i: (0, 0)),
            pl.BlockSpec((EMB, LAYERS0), lambda i: (0, 0)),
            pl.BlockSpec((LAYERS0,), lambda i: (0,)),
            pl.BlockSpec((LAYERS0, LAYERS1), lambda i: (0, 0)),
            pl.BlockSpec((LAYERS1,), lambda i: (0,)),
            pl.BlockSpec((D_OUT, LAYERS1), lambda i: (0, 0)),
            pl.BlockSpec((D_OUT,), lambda i: (0,)),
        ],
        out_specs=pl.BlockSpec((VOCAB_PAD, D_PAD), lambda i: (0, 0)),
        out_shape=jax.ShapeDtypeStruct((VOCAB_PAD, D_PAD), jnp.float32),
    )(tab.T, W1, b1, W2, b2, W3.T, b3)


@functools.cache
def _make_sc_gather():
    mesh = plsc.VectorSubcoreMesh(
        core_axis_name="c",
        subcore_axis_name="s",
        num_cores=NUM_CORES,
        num_subcores=NUM_SUBCORES,
    )

    @functools.partial(
        pl.kernel,
        mesh=mesh,
        compiler_params=pltpu.CompilerParams(use_tc_tiling_on_sc=False),
        out_type=jax.ShapeDtypeStruct((BATCH, D_PAD), jnp.float32),
        scratch_types=[
            pltpu.VMEM((NCHUNK, CHUNK), jnp.int32),
            pltpu.VMEM((B_PER_W, D_OUT), jnp.float32),
            pltpu.SemaphoreType.DMA,
        ],
    )
    def _sc_gather(tab_hbm, idx_hbm, out_hbm, idx_v, rows_v, sem):
        wid = lax.axis_index("s") * NUM_CORES + lax.axis_index("c")
        base = wid * B_PER_W
        for j in range(NCHUNK):
            pltpu.sync_copy(idx_hbm.at[pl.ds(base + j * CHUNK, CHUNK)], idx_v.at[j])
        for j in range(NCHUNK):
            for k in range(CHUNK // LANES):
                sl = pl.ds(k * LANES, LANES)
                idx_v[j, sl] = idx_v[j, sl] * 2
        copies = [
            pltpu.async_copy(
                tab_hbm.at[idx_v.at[j]],
                rows_v.at[pl.ds(j * CHUNK, CHUNK)],
                sem,
            )
            for j in range(NCHUNK)
        ]
        for c in copies:
            c.wait()
        pltpu.sync_copy(rows_v, out_hbm.at[pl.ds(base, B_PER_W), pl.ds(0, D_OUT)])

    return _sc_gather


def kernel(indices, table, W1, b1, W2, b2, W3, b3):
    idx = indices.astype(jnp.int32)
    out_table = _mlp_table(table, W1, b1, W2, b2, W3, b3)
    tab_view = out_table.reshape(2 * VOCAB_PAD, D_OUT)
    gathered = _make_sc_gather()(tab_view, idx)
    return gathered[:, :D_OUT]

# --- scband reference (transcript-rebuilt; emitter-appended) ---
"""Pipeline reference for scband-candidate-model-6476810682587 (READ-ONLY COPY).

The authoritative reference and input builder live on the scoring server;
editing this copy changes nothing except your own understanding.
"""

import jax, jax.numpy as jnp
import numpy as np

VOCAB = 1000
EMBED_DIM = 32
BATCH = 16384
LAYERS = [256, 128, 64]


def setup_inputs(seed: int = 0) -> dict:
    key = jax.random.key(seed)
    ks = jax.random.split(key, 9)
    indices = jax.random.randint(ks[0], (BATCH,), 0, VOCAB, dtype=jnp.int64 if jax.config.jax_enable_x64 else jnp.int32)
    # Embedding table has vocab+1 rows (StringLookup reserves index 0 for OOV in keras;
    # here indices map directly into [0, VOCAB)).
    table = jax.random.normal(ks[1], (VOCAB + 1, EMBED_DIM), dtype=jnp.float32) * 0.05
    W1 = jax.random.normal(ks[2], (EMBED_DIM, LAYERS[0]), dtype=jnp.float32) * (1.0 / np.sqrt(EMBED_DIM))
    b1 = jnp.zeros((LAYERS[0],), dtype=jnp.float32)
    W2 = jax.random.normal(ks[3], (LAYERS[0], LAYERS[1]), dtype=jnp.float32) * (1.0 / np.sqrt(LAYERS[0]))
    b2 = jnp.zeros((LAYERS[1],), dtype=jnp.float32)
    W3 = jax.random.normal(ks[4], (LAYERS[1], LAYERS[2]), dtype=jnp.float32) * (1.0 / np.sqrt(LAYERS[1]))
    b3 = jnp.zeros((LAYERS[2],), dtype=jnp.float32)
    return {"indices": indices, "table": table, "W1": W1, "b1": b1, "W2": W2, "b2": b2, "W3": W3, "b3": b3}


def reference(indices, table, W1, b1, W2, b2, W3, b3):
    # OperatorModel: StringLookup -> Embedding (here: direct integer gather)
    emb = jnp.take(table, indices, axis=0)  # [B, 32]
    # dense_layers: Dense(256, relu) -> Dense(128, relu) -> Dense(64, linear)
    h = jax.nn.relu(emb @ W1 + b1)
    h = jax.nn.relu(h @ W2 + b2)
    out = h @ W3 + b3
    return out

if __name__ == "__main__":
    import jax
    _d = setup_inputs()
    print(jax.jit(kernel)(*tuple(_d.values())))

</pallas_src>

<mosaic_0001>
#map = affine_map<(d0, d1) -> (0, 0)>
#map1 = affine_map<(d0, d1) -> (0)>
module attributes {stable_mosaic.version = 14 : i64} {
  func.func @_sc_gather(%arg0: i32, %arg1: i32, %arg2: memref<2048x64xf32, #tpu.memory_space<hbm>>, %arg3: memref<16384xi32, #tpu.memory_space<hbm>>, %arg4: memref<16384x128xf32, #tpu.memory_space<hbm>>, %arg5: memref<4x128xi32, #tpu.memory_space<vmem>>, %arg6: memref<512x64xf32, #tpu.memory_space<vmem>>, %arg7: memref<!tpu.dma_semaphore, #tpu.memory_space<semaphore_mem>>) attributes {dimension_semantics = [#tpu.dimension_semantics<core_parallel>, #tpu.dimension_semantics<subcore_parallel>], iteration_bounds = array<i64: 2, 16>, scalar_prefetch = 0 : i64, scratch_operands = 3 : i64, tpu.core_type = #tpu.core_type<sc_vector_subcore>, window_params = [{transform_indices = #map}, {transform_indices = #map1}, {transform_indices = #map}]} {
    %mul3A = arith.constant 2 : i32
    %mul3A_0 = arith.muli %arg1, %mul3A : i32
    %add3A = arith.addi %mul3A_0, %arg0 : i32
    %mul3A_1 = arith.constant 512 : i32
    %mul3A_2 = arith.muli %add3A, %mul3A_1 : i32
    %add3A_3 = arith.constant 0 : i32
    %add3A_4 = arith.addi %mul3A_2, %add3A_3 : i32
    %run_scoped3A = arith.constant 0 : i32
    "tpu.region"() ({
      %run_scoped3A_538 = tpu.sem_alloc : memref<!tpu.dma_semaphore, #tpu.memory_space<semaphore_mem>>
      %dma_start3A_539 = arith.constant 0 : i32
      %dma_start3A_540 = tpu.memref_slice %arg5[%run_scoped3A, %dma_start3A_539] : memref<4x128xi32, #tpu.memory_space<vmem>> -> memref<1x128xi32, #tpu.memory_space<vmem>>
      %dma_start3A_541 = tpu.memref_squeeze %dma_start3A_540 : memref<1x128xi32, #tpu.memory_space<vmem>> -> memref<128xi32, #tpu.memory_space<vmem>>
      %dma_start3A_542 = tpu.memref_slice %arg3[%add3A_4] : memref<16384xi32, #tpu.memory_space<hbm>> -> memref<128xi32, #tpu.memory_space<hbm>>
      %dma_start3A_543 = arith.constant 0 : i32
      %dma_start3A_544 = tpu.memref_slice %arg5[%run_scoped3A, %dma_start3A_543] : memref<4x128xi32, #tpu.memory_space<vmem>> -> memref<1x128xi32, #tpu.memory_space<vmem>>
      %dma_start3A_545 = tpu.memref_squeeze %dma_start3A_544 : memref<1x128xi32, #tpu.memory_space<vmem>> -> memref<128xi32, #tpu.memory_space<vmem>>
      %dma_start3A_546 = tpu.memref_slice %arg3[%add3A_4] : memref<16384xi32, #tpu.memory_space<hbm>> -> memref<128xi32, #tpu.memory_space<hbm>>
      tpu.enqueue_dma source(%dma_start3A_546 : memref<128xi32, #tpu.memory_space<hbm>>) target(%dma_start3A_545 : memref<128xi32, #tpu.memory_space<vmem>>) target_semaphore(%run_scoped3A_538 : memref<!tpu.dma_semaphore, #tpu.memory_space<semaphore_mem>>)
      %dma_wait3A_547 = arith.constant 0 : i32
      %dma_wait3A_548 = tpu.memref_slice %arg5[%run_scoped3A, %dma_wait3A_547] : memref<4x128xi32, #tpu.memory_space<vmem>> -> memref<1x128xi32, #tpu.memory_space<vmem>>
      %dma_wait3A_549 = tpu.memref_squeeze %dma_wait3A_548 : memref<1x128xi32, #tpu.memory_space<vmem>> -> memref<128xi32, #tpu.memory_space<vmem>>
      %dma_wait3A_550 = tpu.memref_slice %arg3[%add3A_4] : memref<16384xi32, #tpu.memory_space<hbm>> -> memref<128xi32, #tpu.memory_space<hbm>>
      %dma_wait3A_551 = arith.constant 0 : i32
      %dma_wait3A_552 = tpu.memref_slice %arg5[%run_scoped3A, %dma_wait3A_551] : memref<4x128xi32, #tpu.memory_space<vmem>> -> memref<1x128xi32, #tpu.memory_space<vmem>>
      %dma_wait3A_553 = tpu.memref_squeeze %dma_wait3A_552 : memref<1x128xi32, #tpu.memory_space<vmem>> -> memref<128xi32, #tpu.memory_space<vmem>>
      %dma_wait3A_554 = tpu.memref_slice %arg3[%add3A_4] : memref<16384xi32, #tpu.memory_space<hbm>> -> memref<128xi32, #tpu.memory_space<hbm>>
      tpu.wait_dma2 semaphore(%run_scoped3A_538 : memref<!tpu.dma_semaphore, #tpu.memory_space<semaphore_mem>>) src(%dma_wait3A_554 : memref<128xi32, #tpu.memory_space<hbm>>) dst(%dma_wait3A_553 : memref<128xi32, #tpu.memory_space<vmem>>)
      tpu.yield
    }) : () -> ()
    %add3A_5 = arith.constant 128 : i32
    %add3A_6 = arith.addi %mul3A_2, %add3A_5 : i32
    %run_scoped3A_7 = arith.constant 1 : i32
    "tpu.region"() ({
      %run_scoped3A_538 = tpu.sem_alloc : memref<!tpu.dma_semaphore, #tpu.memory_space<semaphore_mem>>
      %dma_start3A_539 = arith.constant 0 : i32
      %dma_start3A_540 = tpu.memref_slice %arg5[%run_scoped3A_7, %dma_start3A_539] : memref<4x128xi32, #tpu.memory_space<vmem>> -> memref<1x128xi32, #tpu.memory_space<vmem>>
      %dma_start3A_541 = tpu.memref_squeeze %dma_start3A_540 : memref<1x128xi32, #tpu.memory_space<vmem>> -> memref<128xi32, #tpu.memory_space<vmem>>
      %dma_start3A_542 = tpu.memref_slice %arg3[%add3A_6] : memref<16384xi32, #tpu.memory_space<hbm>> -> memref<128xi32, #tpu.memory_space<hbm>>
      %dma_start3A_543 = arith.constant 0 : i32
      %dma_start3A_544 = tpu.memref_slice %arg5[%run_scoped3A_7, %dma_start3A_543] : memref<4x128xi32, #tpu.memory_space<vmem>> -> memref<1x128xi32, #tpu.memory_space<vmem>>
      %dma_start3A_545 = tpu.memref_squeeze %dma_start3A_544 : memref<1x128xi32, #tpu.memory_space<vmem>> -> memref<128xi32, #tpu.memory_space<vmem>>
      %dma_start3A_546 = tpu.memref_slice %arg3[%add3A_6] : memref<16384xi32, #tpu.memory_space<hbm>> -> memref<128xi32, #tpu.memory_space<hbm>>
      tpu.enqueue_dma source(%dma_start3A_546 : memref<128xi32, #tpu.memory_space<hbm>>) target(%dma_start3A_545 : memref<128xi32, #tpu.memory_space<vmem>>) target_semaphore(%run_scoped3A_538 : memref<!tpu.dma_semaphore, #tpu.memory_space<semaphore_mem>>)
      %dma_wait3A_547 = arith.constant 0 : i32
      %dma_wait3A_548 = tpu.memref_slice %arg5[%run_scoped3A_7, %dma_wait3A_547] : memref<4x128xi32, #tpu.memory_space<vmem>> -> memref<1x128xi32, #tpu.memory_space<vmem>>
      %dma_wait3A_549 = tpu.memref_squeeze %dma_wait3A_548 : memref<1x128xi32, #tpu.memory_space<vmem>> -> memref<128xi32, #tpu.memory_space<vmem>>
      %dma_wait3A_550 = tpu.memref_slice %arg3[%add3A_6] : memref<16384xi32, #tpu.memory_space<hbm>> -> memref<128xi32, #tpu.memory_space<hbm>>
      %dma_wait3A_551 = arith.constant 0 : i32
      %dma_wait3A_552 = tpu.memref_slice %arg5[%run_scoped3A_7, %dma_wait3A_551] : memref<4x128xi32, #tpu.memory_space<vmem>> -> memref<1x128xi32, #tpu.memory_space<vmem>>
      %dma_wait3A_553 = tpu.memref_squeeze %dma_wait3A_552 : memref<1x128xi32, #tpu.memory_space<vmem>> -> memref<128xi32, #tpu.memory_space<vmem>>
      %dma_wait3A_554 = tpu.memref_slice %arg3[%add3A_6] : memref<16384xi32, #tpu.memory_space<hbm>> -> memref<128xi32, #tpu.memory_space<hbm>>
      tpu.wait_dma2 semaphore(%run_scoped3A_538 : memref<!tpu.dma_semaphore, #tpu.memory_space<semaphore_mem>>) src(%dma_wait3A_554 : memref<128xi32, #tpu.memory_space<hbm>>) dst(%dma_wait3A_553 : memref<128xi32, #tpu.memory_space<vmem>>)
      tpu.yield
    }) : () -> ()
    %add3A_8 = arith.constant 256 : i32
    %add3A_9 = arith.addi %mul3A_2, %add3A_8 : i32
    %run_scoped3A_10 = arith.constant 2 : i32
    "tpu.region"() ({
      %run_scoped3A_538 = tpu.sem_alloc : memref<!tpu.dma_semaphore, #tpu.memory_space<semaphore_mem>>
      %dma_start3A_539 = arith.constant 0 : i32
      %dma_start3A_540 = tpu.memref_slice %arg5[%run_scoped3A_10, %dma_start3A_539] : memref<4x128xi32, #tpu.memory_space<vmem>> -> memref<1x128xi32, #tpu.memory_space<vmem>>
      %dma_start3A_541 = tpu.memref_squeeze %dma_start3A_540 : memref<1x128xi32, #tpu.memory_space<vmem>> -> memref<128xi32, #tpu.memory_space<vmem>>
      %dma_start3A_542 = tpu.memref_slice %arg3[%add3A_9] : memref<16384xi32, #tpu.memory_space<hbm>> -> memref<128xi32, #tpu.memory_space<hbm>>
      %dma_start3A_543 = arith.constant 0 : i32
      %dma_start3A_544 = tpu.memref_slice %arg5[%run_scoped3A_10, %dma_start3A_543] : memref<4x128xi32, #tpu.memory_space<vmem>> -> memref<1x128xi32, #tpu.memory_space<vmem>>
      %dma_start3A_545 = tpu.memref_squeeze %dma_start3A_544 : memref<1x128xi32, #tpu.memory_space<vmem>> -> memref<128xi32, #tpu.memory_space<vmem>>
      %dma_start3A_546 = tpu.memref_slice %arg3[%add3A_9] : memref<16384xi32, #tpu.memory_space<hbm>> -> memref<128xi32, #tpu.memory_space<hbm>>
      tpu.enqueue_dma source(%dma_start3A_546 : memref<128xi32, #tpu.memory_space<hbm>>) target(%dma_start3A_545 : memref<128xi32, #tpu.memory_space<vmem>>) target_semaphore(%run_scoped3A_538 : memref<!tpu.dma_semaphore, #tpu.memory_space<semaphore_mem>>)
      %dma_wait3A_547 = arith.constant 0 : i32
      %dma_wait3A_548 = tpu.memref_slice %arg5[%run_scoped3A_10, %dma_wait3A_547] : memref<4x128xi32, #tpu.memory_space<vmem>> -> memref<1x128xi32, #tpu.memory_space<vmem>>
      %dma_wait3A_549 = tpu.memref_squeeze %dma_wait3A_548 : memref<1x128xi32, #tpu.memory_space<vmem>> -> memref<128xi32, #tpu.memory_space<vmem>>
      %dma_wait3A_550 = tpu.memref_slice %arg3[%add3A_9] : memref<16384xi32, #tpu.memory_space<hbm>> -> memref<128xi32, #tpu.memory_space<hbm>>
      %dma_wait3A_551 = arith.constant 0 : i32
      %dma_wait3A_552 = tpu.memref_slice %arg5[%run_scoped3A_10, %dma_wait3A_551] : memref<4x128xi32, #tpu.memory_space<vmem>> -> memref<1x128xi32, #tpu.memory_space<vmem>>
      %dma_wait3A_553 = tpu.memref_squeeze %dma_wait3A_552 : memref<1x128xi32, #tpu.memory_space<vmem>> -> memref<128xi32, #tpu.memory_space<vmem>>
      %dma_wait3A_554 = tpu.memref_slice %arg3[%add3A_9] : memref<16384xi32, #tpu.memory_space<hbm>> -> memref<128xi32, #tpu.memory_space<hbm>>
      tpu.wait_dma2 semaphore(%run_scoped3A_538 : memref<!tpu.dma_semaphore, #tpu.memory_space<semaphore_mem>>) src(%dma_wait3A_554 : memref<128xi32, #tpu.memory_space<hbm>>) dst(%dma_wait3A_553 : memref<128xi32, #tpu.memory_space<vmem>>)
      tpu.yield
    }) : () -> ()
    %add3A_11 = arith.constant 384 : i32
    %add3A_12 = arith.addi %mul3A_2, %add3A_11 : i32
    %run_scoped3A_13 = arith.constant 3 : i32
    "tpu.region"() ({
      %run_scoped3A_538 = tpu.sem_alloc : memref<!tpu.dma_semaphore, #tpu.memory_space<semaphore_mem>>
      %dma_start3A_539 = arith.constant 0 : i32
      %dma_start3A_540 = tpu.memref_slice %arg5[%run_scoped3A_13, %dma_start3A_539] : memref<4x128xi32, #tpu.memory_space<vmem>> -> memref<1x128xi32, #tpu.memory_space<vmem>>
      %dma_start3A_541 = tpu.memref_squeeze %dma_start3A_540 : memref<1x128xi32, #tpu.memory_space<vmem>> -> memref<128xi32, #tpu.memory_space<vmem>>
      %dma_start3A_542 = tpu.memref_slice %arg3[%add3A_12] : memref<16384xi32, #tpu.memory_space<hbm>> -> memref<128xi32, #tpu.memory_space<hbm>>
      %dma_start3A_543 = arith.constant 0 : i32
      %dma_start3A_544 = tpu.memref_slice %arg5[%run_scoped3A_13, %dma_start3A_543] : memref<4x128xi32, #tpu.memory_space<vmem>> -> memref<1x128xi32, #tpu.memory_space<vmem>>
      %dma_start3A_545 = tpu.memref_squeeze %dma_start3A_544 : memref<1x128xi32, #tpu.memory_space<vmem>> -> memref<128xi32, #tpu.memory_space<vmem>>
      %dma_start3A_546 = tpu.memref_slice %arg3[%add3A_12] : memref<16384xi32, #tpu.memory_space<hbm>> -> memref<128xi32, #tpu.memory_space<hbm>>
      tpu.enqueue_dma source(%dma_start3A_546 : memref<128xi32, #tpu.memory_space<hbm>>) target(%dma_start3A_545 : memref<128xi32, #tpu.memory_space<vmem>>) target_semaphore(%run_scoped3A_538 : memref<!tpu.dma_semaphore, #tpu.memory_space<semaphore_mem>>)
      %dma_wait3A_547 = arith.constant 0 : i32
      %dma_wait3A_548 = tpu.memref_slice %arg5[%run_scoped3A_13, %dma_wait3A_547] : memref<4x128xi32, #tpu.memory_space<vmem>> -> memref<1x128xi32, #tpu.memory_space<vmem>>
      %dma_wait3A_549 = tpu.memref_squeeze %dma_wait3A_548 : memref<1x128xi32, #tpu.memory_space<vmem>> -> memref<128xi32, #tpu.memory_space<vmem>>
      %dma_wait3A_550 = tpu.memref_slice %arg3[%add3A_12] : memref<16384xi32, #tpu.memory_space<hbm>> -> memref<128xi32, #tpu.memory_space<hbm>>
      %dma_wait3A_551 = arith.constant 0 : i32
      %dma_wait3A_552 = tpu.memref_slice %arg5[%run_scoped3A_13, %dma_wait3A_551] : memref<4x128xi32, #tpu.memory_space<vmem>> -> memref<1x128xi32, #tpu.memory_space<vmem>>
      %dma_wait3A_553 = tpu.memref_squeeze %dma_wait3A_552 : memref<1x128xi32, #tpu.memory_space<vmem>> -> memref<128xi32, #tpu.memory_space<vmem>>
      %dma_wait3A_554 = tpu.memref_slice %arg3[%add3A_12] : memref<16384xi32, #tpu.memory_space<hbm>> -> memref<128xi32, #tpu.memory_space<hbm>>
      tpu.wait_dma2 semaphore(%run_scoped3A_538 : memref<!tpu.dma_semaphore, #tpu.memory_space<semaphore_mem>>) src(%dma_wait3A_554 : memref<128xi32, #tpu.memory_space<hbm>>) dst(%dma_wait3A_553 : memref<128xi32, #tpu.memory_space<vmem>>)
      tpu.yield
    }) : () -> ()
    %get3A = arith.constant 0 : i32
    %get3A_14 = arith.index_cast %get3A : i32 to index
    %get3A_15 = arith.constant 0 : index
    %get3A_16 = tpu.vector_load %arg5[%get3A_14, %get3A_15] {strides = array<i32>} : memref<4x128xi32, #tpu.memory_space<vmem>>, vector<1x16xi32>,
    %get3A_17 = vector.shape_cast %get3A_16 : vector<1x16xi32> to vector<16xi32>
    %mul3A_18 = arith.constant 2 : i32
    %mul3A_19 = vector.broadcast %mul3A_18 : i32 to vector<16xi32>
    %mul3A_20 = arith.muli %get3A_17, %mul3A_19 : vector<16xi32>
    %swap3A = arith.constant 0 : i32
    %swap3A_21 = arith.index_cast %swap3A : i32 to index
    %swap3A_22 = arith.constant 0 : index
    %swap3A_23 = tpu.vector_load %arg5[%swap3A_21, %swap3A_22] {strides = array<i32>} : memref<4x128xi32, #tpu.memory_space<vmem>>, vector<1x16xi32>,
    %swap3A_24 = vector.shape_cast %swap3A_23 : vector<1x16xi32> to vector<16xi32>
    %swap3A_25 = vector.shape_cast %mul3A_20 : vector<16xi32> to vector<1x16xi32>
    tpu.vector_store %arg5[%swap3A_21, %swap3A_22], %swap3A_25 {strides = array<i32>} : memref<4x128xi32, #tpu.memory_space<vmem>>, vector<1x16xi32>,
    %get3A_26 = arith.constant 0 : i32
    %get3A_27 = arith.index_cast %get3A_26 : i32 to index
    %get3A_28 = arith.constant 16 : index
    %get3A_29 = tpu.vector_load %arg5[%get3A_27, %get3A_28] {strides = array<i32>} : memref<4x128xi32, #tpu.memory_space<vmem>>, vector<1x16xi32>,
    %get3A_30 = vector.shape_cast %get3A_29 : vector<1x16xi32> to vector<16xi32>
    %mul3A_31 = arith.constant 2 : i32
    %mul3A_32 = vector.broadcast %mul3A_31 : i32 to vector<16xi32>
    %mul3A_33 = arith.muli %get3A_30, %mul3A_32 : vector<16xi32>
    %swap3A_34 = arith.constant 0 : i32
    %swap3A_35 = arith.index_cast %swap3A_34 : i32 to index
    %swap3A_36 = arith.constant 16 : index
    %swap3A_37 = tpu.vector_load %arg5[%swap3A_35, %swap3A_36] {strides = array<i32>} : memref<4x128xi32, #tpu.memory_space<vmem>>, vector<1x16xi32>,
    %swap3A_38 = vector.shape_cast %swap3A_37 : vector<1x16xi32> to vector<16xi32>
    %swap3A_39 = vector.shape_cast %mul3A_33 : vector<16xi32> to vector<1x16xi32>
    tpu.vector_store %arg5[%swap3A_35, %swap3A_36], %swap3A_39 {strides = array<i32>} : memref<4x128xi32, #tpu.memory_space<vmem>>, vector<1x16xi32>,
    %get3A_40 = arith.constant 0 : i32
    %get3A_41 = arith.index_cast %get3A_40 : i32 to index
    %get3A_42 = arith.constant 32 : index
    %get3A_43 = tpu.vector_load %arg5[%get3A_41, %get3A_42] {strides = array<i32>} : memref<4x128xi32, #tpu.memory_space<vmem>>, vector<1x16xi32>,
    %get3A_44 = vector.shape_cast %get3A_43 : vector<1x16xi32> to vector<16xi32>
    %mul3A_45 = arith.constant 2 : i32
    %mul3A_46 = vector.broadcast %mul3A_45 : i32 to vector<16xi32>
    %mul3A_47 = arith.muli %get3A_44, %mul3A_46 : vector<16xi32>
    %swap3A_48 = arith.constant 0 : i32
    %swap3A_49 = arith.index_cast %swap3A_48 : i32 to index
    %swap3A_50 = arith.constant 32 : index
    %swap3A_51 = tpu.vector_load %arg5[%swap3A_49, %swap3A_50] {strides = array<i32>} : memref<4x128xi32, #tpu.memory_space<vmem>>, vector<1x16xi32>,
    %swap3A_52 = vector.shape_cast %swap3A_51 : vector<1x16xi32> to vector<16xi32>
    %swap3A_53 = vector.shape_cast %mul3A_47 : vector<16xi32> to vector<1x16xi32>
    tpu.vector_store %arg5[%swap3A_49, %swap3A_50], %swap3A_53 {strides = array<i32>} : memref<4x128xi32, #tpu.memory_space<vmem>>, vector<1x16xi32>,
    %get3A_54 = arith.constant 0 : i32
    %get3A_55 = arith.index_cast %get3A_54 : i32 to index
    %get3A_56 = arith.constant 48 : index
    %get3A_57 = tpu.vector_load %arg5[%get3A_55, %get3A_56] {strides = array<i32>} : memref<4x128xi32, #tpu.memory_space<vmem>>, vector<1x16xi32>,
    %get3A_58 = vector.shape_cast %get3A_57 : vector<1x16xi32> to vector<16xi32>
    %mul3A_59 = arith.constant 2 : i32
    %mul3A_60 = vector.broadcast %mul3A_59 : i32 to vector<16xi32>
    %mul3A_61 = arith.muli %get3A_58, %mul3A_60 : vector<16xi32>
    %swap3A_62 = arith.constant 0 : i32
    %swap3A_63 = arith.index_cast %swap3A_62 : i32 to index
    %swap3A_64 = arith.constant 48 : index
    %swap3A_65 = tpu.vector_load %arg5[%swap3A_63, %swap3A_64] {strides = array<i32>} : memref<4x128xi32, #tpu.memory_space<vmem>>, vector<1x16xi32>,
    %swap3A_66 = vector.shape_cast %swap3A_65 : vector<1x16xi32> to vector<16xi32>
    %swap3A_67 = vector.shape_cast %mul3A_61 : vector<16xi32> to vector<1x16xi32>
    tpu.vector_store %arg5[%swap3A_63, %swap3A_64], %swap3A_67 {strides = array<i32>} : memref<4x128xi32, #tpu.memory_space<vmem>>, vector<1x16xi32>,
    %get3A_68 = arith.constant 0 : i32
    %get3A_69 = arith.index_cast %get3A_68 : i32 to index
    %get3A_70 = arith.constant 64 : index
    %get3A_71 = tpu.vector_load %arg5[%get3A_69, %get3A_70] {strides = array<i32>} : memref<4x128xi32, #tpu.memory_space<vmem>>, vector<1x16xi32>,
    %get3A_72 = vector.shape_cast %get3A_71 : vector<1x16xi32> to vector<16xi32>
    %mul3A_73 = arith.constant 2 : i32
    %mul3A_74 = vector.broadcast %mul3A_73 : i32 to vector<16xi32>
    %mul3A_75 = arith.muli %get3A_72, %mul3A_74 : vector<16xi32>
    %swap3A_76 = arith.constant 0 : i32
    %swap3A_77 = arith.index_cast %swap3A_76 : i32 to index
    %swap3A_78 = arith.constant 64 : index
    %swap3A_79 = tpu.vector_load %arg5[%swap3A_77, %swap3A_78] {strides = array<i32>} : memref<4x128xi32, #tpu.memory_space<vmem>>, vector<1x16xi32>,
    %swap3A_80 = vector.shape_cast %swap3A_79 : vector<1x16xi32> to vector<16xi32>
    %swap3A_81 = vector.shape_cast %mul3A_75 : vector<16xi32> to vector<1x16xi32>
    tpu.vector_store %arg5[%swap3A_77, %swap3A_78], %swap3A_81 {strides = array<i32>} : memref<4x128xi32, #tpu.memory_space<vmem>>, vector<1x16xi32>,
    %get3A_82 = arith.constant 0 : i32
    %get3A_83 = arith.index_cast %get3A_82 : i32 to index
    %get3A_84 = arith.constant 80 : index
    %get3A_85 = tpu.vector_load %arg5[%get3A_83, %get3A_84] {strides = array<i32>} : memref<4x128xi32, #tpu.memory_space<vmem>>, vector<1x16xi32>,
    %get3A_86 = vector.shape_cast %get3A_85 : vector<1x16xi32> to vector<16xi32>
    %mul3A_87 = arith.constant 2 : i32
    %mul3A_88 = vector.broadcast %mul3A_87 : i32 to vector<16xi32>
    %mul3A_89 = arith.muli %get3A_86, %mul3A_88 : vector<16xi32>
    %swap3A_90 = arith.constant 0 : i32
    %swap3A_91 = arith.index_cast %swap3A_90 : i32 to index
    %swap3A_92 = arith.constant 80 : index
    %swap3A_93 = tpu.vector_load %arg5[%swap3A_91, %swap3A_92] {strides = array<i32>} : memref<4x128xi32, #tpu.memory_space<vmem>>, vector<1x16xi32>,
    %swap3A_94 = vector.shape_cast %swap3A_93 : vector<1x16xi32> to vector<16xi32>
    %swap3A_95 = vector.shape_cast %mul3A_89 : vector<16xi32> to vector<1x16xi32>
    tpu.vector_store %arg5[%swap3A_91, %swap3A_92], %swap3A_95 {strides = array<i32>} : memref<4x128xi32, #tpu.memory_space<vmem>>, vector<1x16xi32>,
    %get3A_96 = arith.constant 0 : i32
    %get3A_97 = arith.index_cast %get3A_96 : i32 to index
    %get3A_98 = arith.constant 96 : index
    %get3A_99 = tpu.vector_load %arg5[%get3A_97, %get3A_98] {strides = array<i32>} : memref<4x128xi32, #tpu.memory_space<vmem>>, vector<1x16xi32>,
    %get3A_100 = vector.shape_cast %get3A_99 : vector<1x16xi32> to vector<16xi32>
    %mul3A_101 = arith.constant 2 : i32
    %mul3A_102 = vector.broadcast %mul3A_101 : i32 to vector<16xi32>
    %mul3A_103 = arith.muli %get3A_100, %mul3A_102 : vector<16xi32>
    %swap3A_104 = arith.constant 0 : i32
    %swap3A_105 = arith.index_cast %swap3A_104 : i32 to index
    %swap3A_106 = arith.constant 96 : index
    %swap3A_107 = tpu.vector_load %arg5[%swap3A_105, %swap3A_106] {strides = array<i32>} : memref<4x128xi32, #tpu.memory_space<vmem>>, vector<1x16xi32>,
    %swap3A_108 = vector.shape_cast %swap3A_107 : vector<1x16xi32> to vector<16xi32>
    %swap3A_109 = vector.shape_cast %mul3A_103 : vector<16xi32> to vector<1x16xi32>
    tpu.vector_store %arg5[%swap3A_105, %swap3A_106], %swap3A_109 {strides = array<i32>} : memref<4x128xi32, #tpu.memory_space<vmem>>, vector<1x16xi32>,
    %get3A_110 = arith.constant 0 : i32
    %get3A_111 = arith.index_cast %get3A_110 : i32 to index
    %get3A_112 = arith.constant 112 : index
    %get3A_113 = tpu.vector_load %arg5[%get3A_111, %get3A_112] {strides = array<i32>} : memref<4x128xi32, #tpu.memory_space<vmem>>, vector<1x16xi32>,
    %get3A_114 = vector.shape_cast %get3A_113 : vector<1x16xi32> to vector<16xi32>
    %mul3A_115 = arith.constant 2 : i32
    %mul3A_116 = vector.broadcast %mul3A_115 : i32 to vector<16xi32>
    %mul3A_117 = arith.muli %get3A_114, %mul3A_116 : vector<16xi32>
    %swap3A_118 = arith.constant 0 : i32
    %swap3A_119 = arith.index_cast %swap3A_118 : i32 to index
    %swap3A_120 = arith.constant 112 : index
    %swap3A_121 = tpu.vector_load %arg5[%swap3A_119, %swap3A_120] {strides = array<i32>} : memref<4x128xi32, #tpu.memory_space<vmem>>, vector<1x16xi32>,
    %swap3A_122 = vector.shape_cast %swap3A_121 : vector<1x16xi32> to vector<16xi32>
    %swap3A_123 = vector.shape_cast %mul3A_117 : vector<16xi32> to vector<1x16xi32>
    tpu.vector_store %arg5[%swap3A_119, %swap3A_120], %swap3A_123 {strides = array<i32>} : memref<4x128xi32, #tpu.memory_space<vmem>>, vector<1x16xi32>,
    %get3A_124 = arith.constant 1 : i32
    %get3A_125 = arith.index_cast %get3A_124 : i32 to index
    %get3A_126 = arith.constant 0 : index
    %get3A_127 = tpu.vector_load %arg5[%get3A_125, %get3A_126] {strides = array<i32>} : memref<4x128xi32, #tpu.memory_space<vmem>>, vector<1x16xi32>,
    %get3A_128 = vector.shape_cast %get3A_127 : vector<1x16xi32> to vector<16xi32>
    %mul3A_129 = arith.constant 2 : i32
    %mul3A_130 = vector.broadcast %mul3A_129 : i32 to vector<16xi32>
    %mul3A_131 = arith.muli %get3A_128, %mul3A_130 : vector<16xi32>
    %swap3A_132 = arith.constant 1 : i32
    %swap3A_133 = arith.index_cast %swap3A_132 : i32 to index
    %swap3A_134 = arith.constant 0 : index
    %swap3A_135 = tpu.vector_load %arg5[%swap3A_133, %swap3A_134] {strides = array<i32>} : memref<4x128xi32, #tpu.memory_space<vmem>>, vector<1x16xi32>,
    %swap3A_136 = vector.shape_cast %swap3A_135 : vector<1x16xi32> to vector<16xi32>
    %swap3A_137 = vector.shape_cast %mul3A_131 : vector<16xi32> to vector<1x16xi32>
    tpu.vector_store %arg5[%swap3A_133, %swap3A_134], %swap3A_137 {strides = array<i32>} : memref<4x128xi32, #tpu.memory_space<vmem>>, vector<1x16xi32>,
    %get3A_138 = arith.constant 1 : i32
    %get3A_139 = arith.index_cast %get3A_138 : i32 to index
    %get3A_140 = arith.constant 16 : index
    %get3A_141 = tpu.vector_load %arg5[%get3A_139, %get3A_140] {strides = array<i32>} : memref<4x128xi32, #tpu.memory_space<vmem>>, vector<1x16xi32>,
    %get3A_142 = vector.shape_cast %get3A_141 : vector<1x16xi32> to vector<16xi32>
    %mul3A_143 = arith.constant 2 : i32
    %mul3A_144 = vector.broadcast %mul3A_143 : i32 to vector<16xi32>
    %mul3A_145 = arith.muli %get3A_142, %mul3A_144 : vector<16xi32>
    %swap3A_146 = arith.constant 1 : i32
    %swap3A_147 = arith.index_cast %swap3A_146 : i32 to index
    %swap3A_148 = arith.constant 16 : index
    %swap3A_149 = tpu.vector_load %arg5[%swap3A_147, %swap3A_148] {strides = array<i32>} : memref<4x128xi32, #tpu.memory_space<vmem>>, vector<1x16xi32>,
    %swap3A_150 = vector.shape_cast %swap3A_149 : vector<1x16xi32> to vector<16xi32>
    %swap3A_151 = vector.shape_cast %mul3A_145 : vector<16xi32> to vector<1x16xi32>
    tpu.vector_store %arg5[%swap3A_147, %swap3A_148], %swap3A_151 {strides = array<i32>} : memref<4x128xi32, #tpu.memory_space<vmem>>, vector<1x16xi32>,
    %get3A_152 = arith.constant 1 : i32
    %get3A_153 = arith.index_cast %get3A_152 : i32 to index
    %get3A_154 = arith.constant 32 : index
    %get3A_155 = tpu.vector_load %arg5[%get3A_153, %get3A_154] {strides = array<i32>} : memref<4x128xi32, #tpu.memory_space<vmem>>, vector<1x16xi32>,
    %get3A_156 = vector.shape_cast %get3A_155 : vector<1x16xi32> to vector<16xi32>
    %mul3A_157 = arith.constant 2 : i32
    %mul3A_158 = vector.broadcast %mul3A_157 : i32 to vector<16xi32>
    %mul3A_159 = arith.muli %get3A_156, %mul3A_158 : vector<16xi32>
    %swap3A_160 = arith.constant 1 : i32
    %swap3A_161 = arith.index_cast %swap3A_160 : i32 to index
    %swap3A_162 = arith.constant 32 : index
    %swap3A_163 = tpu.vector_load %arg5[%swap3A_161, %swap3A_162] {strides = array<i32>} : memref<4x128xi32, #tpu.memory_space<vmem>>, vector<1x16xi32>,
    %swap3A_164 = vector.shape_cast %swap3A_163 : vector<1x16xi32> to vector<16xi32>
    %swap3A_165 = vector.shape_cast %mul3A_159 : vector<16xi32> to vector<1x16xi32>
    tpu.vector_store %arg5[%swap3A_161, %swap3A_162], %swap3A_165 {strides = array<i32>} : memref<4x128xi32, #tpu.memory_space<vmem>>, vector<1x16xi32>,
    %get3A_166 = arith.constant 1 : i32
    %get3A_167 = arith.index_cast %get3A_166 : i32 to index
    %get3A_168 = arith.constant 48 : index
    %get3A_169 = tpu.vector_load %arg5[%get3A_167, %get3A_168] {strides = array<i32>} : memref<4x128xi32, #tpu.memory_space<vmem>>, vector<1x16xi32>,
    %get3A_170 = vector.shape_cast %get3A_169 : vector<1x16xi32> to vector<16xi32>
    %mul3A_171 = arith.constant 2 : i32
    %mul3A_172 = vector.broadcast %mul3A_171 : i32 to vector<16xi32>
    %mul3A_173 = arith.muli %get3A_170, %mul3A_172 : vector<16xi32>
    %swap3A_174 = arith.constant 1 : i32
    %swap3A_175 = arith.index_cast %swap3A_174 : i32 to index
    %swap3A_176 = arith.constant 48 : index
    %swap3A_177 = tpu.vector_load %arg5[%swap3A_175, %swap3A_176] {strides = array<i32>} : memref<4x128xi32, #tpu.memory_space<vmem>>, vector<1x16xi32>,
    %swap3A_178 = vector.shape_cast %swap3A_177 : vector<1x16xi32> to vector<16xi32>
    %swap3A_179 = vector.shape_cast %mul3A_173 : vector<16xi32> to vector<1x16xi32>
    tpu.vector_store %arg5[%swap3A_175, %swap3A_176], %swap3A_179 {strides = array<i32>} : memref<4x128xi32, #tpu.memory_space<vmem>>, vector<1x16xi32>,
    %get3A_180 = arith.constant 1 : i32
    %get3A_181 = arith.index_cast %get3A_180 : i32 to index
    %get3A_182 = arith.constant 64 : index
    %get3A_183 = tpu.vector_load %arg5[%get3A_181, %get3A_182] {strides = array<i32>} : memref<4x128xi32, #tpu.memory_space<vmem>>, vector<1x16xi32>,
    %get3A_184 = vector.shape_cast %get3A_183 : vector<1x16xi32> to vector<16xi32>
    %mul3A_185 = arith.constant 2 : i32
    %mul3A_186 = vector.broadcast %mul3A_185 : i32 to vector<16xi32>
    %mul3A_187 = arith.muli %get3A_184, %mul3A_186 : vector<16xi32>
    %swap3A_188 = arith.constant 1 : i32
    %swap3A_189 = arith.index_cast %swap3A_188 : i32 to index
    %swap3A_190 = arith.constant 64 : index
    %swap3A_191 = tpu.vector_load %arg5[%swap3A_189, %swap3A_190] {strides = array<i32>} : memref<4x128xi32, #tpu.memory_space<vmem>>, vector<1x16xi32>,
    %swap3A_192 = vector.shape_cast %swap3A_191 : vector<1x16xi32> to vector<16xi32>
    %swap3A_193 = vector.shape_cast %mul3A_187 : vector<16xi32> to vector<1x16xi32>
    tpu.vector_store %arg5[%swap3A_189, %swap3A_190], %swap3A_193 {strides = array<i32>} : memref<4x128xi32, #tpu.memory_space<vmem>>, vector<1x16xi32>,
    %get3A_194 = arith.constant 1 : i32
    %get3A_195 = arith.index_cast %get3A_194 : i32 to index
    %get3A_196 = arith.constant 80 : index
    %get3A_197 = tpu.vector_load %arg5[%get3A_195, %get3A_196] {strides = array<i32>} : memref<4x128xi32, #tpu.memory_space<vmem>>, vector<1x16xi32>,
    %get3A_198 = vector.shape_cast %get3A_197 : vector<1x16xi32> to vector<16xi32>
    %mul3A_199 = arith.constant 2 : i32
    %mul3A_200 = vector.broadcast %mul3A_199 : i32 to vector<16xi32>
    %mul3A_201 = arith.muli %get3A_198, %mul3A_200 : vector<16xi32>
    %swap3A_202 = arith.constant 1 : i32
    %swap3A_203 = arith.index_cast %swap3A_202 : i32 to index
    %swap3A_204 = arith.constant 80 : index
    %swap3A_205 = tpu.vector_load %arg5[%swap3A_203, %swap3A_204] {strides = array<i32>} : memref<4x128xi32, #tpu.memory_space<vmem>>, vector<1x16xi32>,
    %swap3A_206 = vector.shape_cast %swap3A_205 : vector<1x16xi32> to vector<16xi32>
    %swap3A_207 = vector.shape_cast %mul3A_201 : vector<16xi32> to vector<1x16xi32>
    tpu.vector_store %arg5[%swap3A_203, %swap3A_204], %swap3A_207 {strides = array<i32>} : memref<4x128xi32, #tpu.memory_space<vmem>>, vector<1x16xi32>,
    %get3A_208 = arith.constant 1 : i32
    %get3A_209 = arith.index_cast %get3A_208 : i32 to index
    %get3A_210 = arith.constant 96 : index
    %get3A_211 = tpu.vector_load %arg5[%get3A_209, %get3A_210] {strides = array<i32>} : memref<4x128xi32, #tpu.memory_space<vmem>>, vector<1x16xi32>,
    %get3A_212 = vector.shape_cast %get3A_211 : vector<1x16xi32> to vector<16xi32>
    %mul3A_213 = arith.constant 2 : i32
    %mul3A_214 = vector.broadcast %mul3A_213 : i32 to vector<16xi32>
    %mul3A_215 = arith.muli %get3A_212, %mul3A_214 : vector<16xi32>
    %swap3A_216 = arith.constant 1 : i32
    %swap3A_217 = arith.index_cast %swap3A_216 : i32 to index
    %swap3A_218 = arith.constant 96 : index
    %swap3A_219 = tpu.vector_load %arg5[%swap3A_217, %swap3A_218] {strides = array<i32>} : memref<4x128xi32, #tpu.memory_space<vmem>>, vector<1x16xi32>,
    %swap3A_220 = vector.shape_cast %swap3A_219 : vector<1x16xi32> to vector<16xi32>
    %swap3A_221 = vector.shape_cast %mul3A_215 : vector<16xi32> to vector<1x16xi32>
    tpu.vector_store %arg5[%swap3A_217, %swap3A_218], %swap3A_221 {strides = array<i32>} : memref<4x128xi32, #tpu.memory_space<vmem>>, vector<1x16xi32>,
    %get3A_222 = arith.constant 1 : i32
    %get3A_223 = arith.index_cast %get3A_222 : i32 to index
    %get3A_224 = arith.constant 112 : index
    %get3A_225 = tpu.vector_load %arg5[%get3A_223, %get3A_224] {strides = array<i32>} : memref<4x128xi32, #tpu.memory_space<vmem>>, vector<1x16xi32>,
    %get3A_226 = vector.shape_cast %get3A_225 : vector<1x16xi32> to vector<16xi32>
    %mul3A_227 = arith.constant 2 : i32
    %mul3A_228 = vector.broadcast %mul3A_227 : i32 to vector<16xi32>
    %mul3A_229 = arith.muli %get3A_226, %mul3A_228 : vector<16xi32>
    %swap3A_230 = arith.constant 1 : i32
    %swap3A_231 = arith.index_cast %swap3A_230 : i32 to index
    %swap3A_232 = arith.constant 112 : index
    %swap3A_233 = tpu.vector_load %arg5[%swap3A_231, %swap3A_232] {strides = array<i32>} : memref<4x128xi32, #tpu.memory_space<vmem>>, vector<1x16xi32>,
    %swap3A_234 = vector.shape_cast %swap3A_233 : vector<1x16xi32> to vector<16xi32>
    %swap3A_235 = vector.shape_cast %mul3A_229 : vector<16xi32> to vector<1x16xi32>
    tpu.vector_store %arg5[%swap3A_231, %swap3A_232], %swap3A_235 {strides = array<i32>} : memref<4x128xi32, #tpu.memory_space<vmem>>, vector<1x16xi32>,
    %get3A_236 = arith.constant 2 : i32
    %get3A_237 = arith.index_cast %get3A_236 : i32 to index
    %get3A_238 = arith.constant 0 : index
    %get3A_239 = tpu.vector_load %arg5[%get3A_237, %get3A_238] {strides = array<i32>} : memref<4x128xi32, #tpu.memory_space<vmem>>, vector<1x16xi32>,
    %get3A_240 = vector.shape_cast %get3A_239 : vector<1x16xi32> to vector<16xi32>
    %mul3A_241 = arith.constant 2 : i32
    %mul3A_242 = vector.broadcast %mul3A_241 : i32 to vector<16xi32>
    %mul3A_243 = arith.muli %get3A_240, %mul3A_242 : vector<16xi32>
    %swap3A_244 = arith.constant 2 : i32
    %swap3A_245 = arith.index_cast %swap3A_244 : i32 to index
    %swap3A_246 = arith.constant 0 : index
    %swap3A_247 = tpu.vector_load %arg5[%swap3A_245, %swap3A_246] {strides = array<i32>} : memref<4x128xi32, #tpu.memory_space<vmem>>, vector<1x16xi32>,
    %swap3A_248 = vector.shape_cast %swap3A_247 : vector<1x16xi32> to vector<16xi32>
    %swap3A_249 = vector.shape_cast %mul3A_243 : vector<16xi32> to vector<1x16xi32>
    tpu.vector_store %arg5[%swap3A_245, %swap3A_246], %swap3A_249 {strides = array<i32>} : memref<4x128xi32, #tpu.memory_space<vmem>>, vector<1x16xi32>,
    %get3A_250 = arith.constant 2 : i32
    %get3A_251 = arith.index_cast %get3A_250 : i32 to index
    %get3A_252 = arith.constant 16 : index
    %get3A_253 = tpu.vector_load %arg5[%get3A_251, %get3A_252] {strides = array<i32>} : memref<4x128xi32, #tpu.memory_space<vmem>>, vector<1x16xi32>,
    %get3A_254 = vector.shape_cast %get3A_253 : vector<1x16xi32> to vector<16xi32>
    %mul3A_255 = arith.constant 2 : i32
    %mul3A_256 = vector.broadcast %mul3A_255 : i32 to vector<16xi32>
    %mul3A_257 = arith.muli %get3A_254, %mul3A_256 : vector<16xi32>
    %swap3A_258 = arith.constant 2 : i32
    %swap3A_259 = arith.index_cast %swap3A_258 : i32 to index
    %swap3A_260 = arith.constant 16 : index
    %swap3A_261 = tpu.vector_load %arg5[%swap3A_259, %swap3A_260] {strides = array<i32>} : memref<4x128xi32, #tpu.memory_space<vmem>>, vector<1x16xi32>,
    %swap3A_262 = vector.shape_cast %swap3A_261 : vector<1x16xi32> to vector<16xi32>
    %swap3A_263 = vector.shape_cast %mul3A_257 : vector<16xi32> to vector<1x16xi32>
    tpu.vector_store %arg5[%swap3A_259, %swap3A_260], %swap3A_263 {strides = array<i32>} : memref<4x128xi32, #tpu.memory_space<vmem>>, vector<1x16xi32>,
    %get3A_264 = arith.constant 2 : i32
    %get3A_265 = arith.index_cast %get3A_264 : i32 to index
    %get3A_266 = arith.constant 32 : index
    %get3A_267 = tpu.vector_load %arg5[%get3A_265, %get3A_266] {strides = array<i32>} : memref<4x128xi32, #tpu.memory_space<vmem>>, vector<1x16xi32>,
    %get3A_268 = vector.shape_cast %get3A_267 : vector<1x16xi32> to vector<16xi32>
    %mul3A_269 = arith.constant 2 : i32
    %mul3A_270 = vector.broadcast %mul3A_269 : i32 to vector<16xi32>
    %mul3A_271 = arith.muli %get3A_268, %mul3A_270 : vector<16xi32>
    %swap3A_272 = arith.constant 2 : i32
    %swap3A_273 = arith.index_cast %swap3A_272 : i32 to index
    %swap3A_274 = arith.constant 32 : index
    %swap3A_275 = tpu.vector_load %arg5[%swap3A_273, %swap3A_274] {strides = array<i32>} : memref<4x128xi32, #tpu.memory_space<vmem>>, vector<1x16xi32>,
    %swap3A_276 = vector.shape_cast %swap3A_275 : vector<1x16xi32> to vector<16xi32>
    %swap3A_277 = vector.shape_cast %mul3A_271 : vector<16xi32> to vector<1x16xi32>
    tpu.vector_store %arg5[%swap3A_273, %swap3A_274], %swap3A_277 {strides = array<i32>} : memref<4x128xi32, #tpu.memory_space<vmem>>, vector<1x16xi32>,
    %get3A_278 = arith.constant 2 : i32
    %get3A_279 = arith.index_cast %get3A_278 : i32 to index
    %get3A_280 = arith.constant 48 : index
    %get3A_281 = tpu.vector_load %arg5[%get3A_279, %get3A_280] {strides = array<i32>} : memref<4x128xi32, #tpu.memory_space<vmem>>, vector<1x16xi32>,
    %get3A_282 = vector.shape_cast %get3A_281 : vector<1x16xi32> to vector<16xi32>
    %mul3A_283 = arith.constant 2 : i32
    %mul3A_284 = vector.broadcast %mul3A_283 : i32 to vector<16xi32>
    %mul3A_285 = arith.muli %get3A_282, %mul3A_284 : vector<16xi32>
    %swap3A_286 = arith.constant 2 : i32
    %swap3A_287 = arith.index_cast %swap3A_286 : i32 to index
    %swap3A_288 = arith.constant 48 : index
    %swap3A_289 = tpu.vector_load %arg5[%swap3A_287, %swap3A_288] {strides = array<i32>} : memref<4x128xi32, #tpu.memory_space<vmem>>, vector<1x16xi32>,
    %swap3A_290 = vector.shape_cast %swap3A_289 : vector<1x16xi32> to vector<16xi32>
    %swap3A_291 = vector.shape_cast %mul3A_285 : vector<16xi32> to vector<1x16xi32>
    tpu.vector_store %arg5[%swap3A_287, %swap3A_288], %swap3A_291 {strides = array<i32>} : memref<4x128xi32, #tpu.memory_space<vmem>>, vector<1x16xi32>,
    %get3A_292 = arith.constant 2 : i32
    %get3A_293 = arith.index_cast %get3A_292 : i32 to index
    %get3A_294 = arith.constant 64 : index
    %get3A_295 = tpu.vector_load %arg5[%get3A_293, %get3A_294] {strides = array<i32>} : memref<4x128xi32, #tpu.memory_space<vmem>>, vector<1x16xi32>,
    %get3A_296 = vector.shape_cast %get3A_295 : vector<1x16xi32> to vector<16xi32>
    %mul3A_297 = arith.constant 2 : i32
    %mul3A_298 = vector.broadcast %mul3A_297 : i32 to vector<16xi32>
    %mul3A_299 = arith.muli %get3A_296, %mul3A_298 : vector<16xi32>
    %swap3A_300 = arith.constant 2 : i32
    %swap3A_301 = arith.index_cast %swap3A_300 : i32 to index
    %swap3A_302 = arith.constant 64 : index
    %swap3A_303 = tpu.vector_load %arg5[%swap3A_301, %swap3A_302] {strides = array<i32>} : memref<4x128xi32, #tpu.memory_space<vmem>>, vector<1x16xi32>,
    %swap3A_304 = vector.shape_cast %swap3A_303 : vector<1x16xi32> to vector<16xi32>
    %swap3A_305 = vector.shape_cast %mul3A_299 : vector<16xi32> to vector<1x16xi32>
    tpu.vector_store %arg5[%swap3A_301, %swap3A_302], %swap3A_305 {strides = array<i32>} : memref<4x128xi32, #tpu.memory_space<vmem>>, vector<1x16xi32>,
    %get3A_306 = arith.constant 2 : i32
    %get3A_307 = arith.index_cast %get3A_306 : i32 to index
    %get3A_308 = arith.constant 80 : index
    %get3A_309 = tpu.vector_load %arg5[%get3A_307, %get3A_308] {strides = array<i32>} : memref<4x128xi32, #tpu.memory_space<vmem>>, vector<1x16xi32>,
    %get3A_310 = vector.shape_cast %get3A_309 : vector<1x16xi32> to vector<16xi32>
    %mul3A_311 = arith.constant 2 : i32
    %mul3A_312 = vector.broadcast %mul3A_311 : i32 to vector<16xi32>
    %mul3A_313 = arith.muli %get3A_310, %mul3A_312 : vector<16xi32>
    %swap3A_314 = arith.constant 2 : i32
    %swap3A_315 = arith.index_cast %swap3A_314 : i32 to index
    %swap3A_316 = arith.constant 80 : index
    %swap3A_317 = tpu.vector_load %arg5[%swap3A_315, %swap3A_316] {strides = array<i32>} : memref<4x128xi32, #tpu.memory_space<vmem>>, vector<1x16xi32>,
    %swap3A_318 = vector.shape_cast %swap3A_317 : vector<1x16xi32> to vector<16xi32>
    %swap3A_319 = vector.shape_cast %mul3A_313 : vector<16xi32> to vector<1x16xi32>
    tpu.vector_store %arg5[%swap3A_315, %swap3A_316], %swap3A_319 {strides = array<i32>} : memref<4x128xi32, #tpu.memory_space<vmem>>, vector<1x16xi32>,
    %get3A_320 = arith.constant 2 : i32
    %get3A_321 = arith.index_cast %get3A_320 : i32 to index
    %get3A_322 = arith.constant 96 : index
    %get3A_323 = tpu.vector_load %arg5[%get3A_321, %get3A_322] {strides = array<i32>} : memref<4x128xi32, #tpu.memory_space<vmem>>, vector<1x16xi32>,
    %get3A_324 = vector.shape_cast %get3A_323 : vector<1x16xi32> to vector<16xi32>
    %mul3A_325 = arith.constant 2 : i32
    %mul3A_326 = vector.broadcast %mul3A_325 : i32 to vector<16xi32>
    %mul3A_327 = arith.muli %get3A_324, %mul3A_326 : vector<16xi32>
    %swap3A_328 = arith.constant 2 : i32
    %swap3A_329 = arith.index_cast %swap3A_328 : i32 to index
    %swap3A_330 = arith.constant 96 : index
    %swap3A_331 = tpu.vector_load %arg5[%swap3A_329, %swap3A_330] {strides = array<i32>} : memref<4x128xi32, #tpu.memory_space<vmem>>, vector<1x16xi32>,
    %swap3A_332 = vector.shape_cast %swap3A_331 : vector<1x16xi32> to vector<16xi32>
    %swap3A_333 = vector.shape_cast %mul3A_327 : vector<16xi32> to vector<1x16xi32>
    tpu.vector_store %arg5[%swap3A_329, %swap3A_330], %swap3A_333 {strides = array<i32>} : memref<4x128xi32, #tpu.memory_space<vmem>>, vector<1x16xi32>,
    %get3A_334 = arith.constant 2 : i32
    %get3A_335 = arith.index_cast %get3A_334 : i32 to index
    %get3A_336 = arith.constant 112 : index
    %get3A_337 = tpu.vector_load %arg5[%get3A_335, %get3A_336] {strides = array<i32>} : memref<4x128xi32, #tpu.memory_space<vmem>>, vector<1x16xi32>,
    %get3A_338 = vector.shape_cast %get3A_337 : vector<1x16xi32> to vector<16xi32>
    %mul3A_339 = arith.constant 2 : i32
    %mul3A_340 = vector.broadcast %mul3A_339 : i32 to vector<16xi32>
    %mul3A_341 = arith.muli %get3A_338, %mul3A_340 : vector<16xi32>
    %swap3A_342 = arith.constant 2 : i32
    %swap3A_343 = arith.index_cast %swap3A_342 : i32 to index
    %swap3A_344 = arith.constant 112 : index
    %swap3A_345 = tpu.vector_load %arg5[%swap3A_343, %swap3A_344] {strides = array<i32>} : memref<4x128xi32, #tpu.memory_space<vmem>>, vector<1x16xi32>,
    %swap3A_346 = vector.shape_cast %swap3A_345 : vector<1x16xi32> to vector<16xi32>
    %swap3A_347 = vector.shape_cast %mul3A_341 : vector<16xi32> to vector<1x16xi32>
    tpu.vector_store %arg5[%swap3A_343, %swap3A_344], %swap3A_347 {strides = array<i32>} : memref<4x128xi32, #tpu.memory_space<vmem>>, vector<1x16xi32>,
    %get3A_348 = arith.constant 3 : i32
    %get3A_349 = arith.index_cast %get3A_348 : i32 to index
    %get3A_350 = arith.constant 0 : index
    %get3A_351 = tpu.vector_load %arg5[%get3A_349, %get3A_350] {strides = array<i32>} : memref<4x128xi32, #tpu.memory_space<vmem>>, vector<1x16xi32>,
    %get3A_352 = vector.shape_cast %get3A_351 : vector<1x16xi32> to vector<16xi32>
    %mul3A_353 = arith.constant 2 : i32
    %mul3A_354 = vector.broadcast %mul3A_353 : i32 to vector<16xi32>
    %mul3A_355 = arith.muli %get3A_352, %mul3A_354 : vector<16xi32>
    %swap3A_356 = arith.constant 3 : i32
    %swap3A_357 = arith.index_cast %swap3A_356 : i32 to index
    %swap3A_358 = arith.constant 0 : index
    %swap3A_359 = tpu.vector_load %arg5[%swap3A_357, %swap3A_358] {strides = array<i32>} : memref<4x128xi32, #tpu.memory_space<vmem>>, vector<1x16xi32>,
    %swap3A_360 = vector.shape_cast %swap3A_359 : vector<1x16xi32> to vector<16xi32>
    %swap3A_361 = vector.shape_cast %mul3A_355 : vector<16xi32> to vector<1x16xi32>
    tpu.vector_store %arg5[%swap3A_357, %swap3A_358], %swap3A_361 {strides = array<i32>} : memref<4x128xi32, #tpu.memory_space<vmem>>, vector<1x16xi32>,
    %get3A_362 = arith.constant 3 : i32
    %get3A_363 = arith.index_cast %get3A_362 : i32 to index
    %get3A_364 = arith.constant 16 : index
    %get3A_365 = tpu.vector_load %arg5[%get3A_363, %get3A_364] {strides = array<i32>} : memref<4x128xi32, #tpu.memory_space<vmem>>, vector<1x16xi32>,
    %get3A_366 = vector.shape_cast %get3A_365 : vector<1x16xi32> to vector<16xi32>
    %mul3A_367 = arith.constant 2 : i32
    %mul3A_368 = vector.broadcast %mul3A_367 : i32 to vector<16xi32>
    %mul3A_369 = arith.muli %get3A_366, %mul3A_368 : vector<16xi32>
    %swap3A_370 = arith.constant 3 : i32
    %swap3A_371 = arith.index_cast %swap3A_370 : i32 to index
    %swap3A_372 = arith.constant 16 : index
    %swap3A_373 = tpu.vector_load %arg5[%swap3A_371, %swap3A_372] {strides = array<i32>} : memref<4x128xi32, #tpu.memory_space<vmem>>, vector<1x16xi32>,
    %swap3A_374 = vector.shape_cast %swap3A_373 : vector<1x16xi32> to vector<16xi32>
    %swap3A_375 = vector.shape_cast %mul3A_369 : vector<16xi32> to vector<1x16xi32>
    tpu.vector_store %arg5[%swap3A_371, %swap3A_372], %swap3A_375 {strides = array<i32>} : memref<4x128xi32, #tpu.memory_space<vmem>>, vector<1x16xi32>,
    %get3A_376 = arith.constant 3 : i32
    %get3A_377 = arith.index_cast %get3A_376 : i32 to index
    %get3A_378 = arith.constant 32 : index
    %get3A_379 = tpu.vector_load %arg5[%get3A_377, %get3A_378] {strides = array<i32>} : memref<4x128xi32, #tpu.memory_space<vmem>>, vector<1x16xi32>,
    %get3A_380 = vector.shape_cast %get3A_379 : vector<1x16xi32> to vector<16xi32>
    %mul3A_381 = arith.constant 2 : i32
    %mul3A_382 = vector.broadcast %mul3A_381 : i32 to vector<16xi32>
    %mul3A_383 = arith.muli %get3A_380, %mul3A_382 : vector<16xi32>
    %swap3A_384 = arith.constant 3 : i32
    %swap3A_385 = arith.index_cast %swap3A_384 : i32 to index
    %swap3A_386 = arith.constant 32 : index
    %swap3A_387 = tpu.vector_load %arg5[%swap3A_385, %swap3A_386] {strides = array<i32>} : memref<4x128xi32, #tpu.memory_space<vmem>>, vector<1x16xi32>,
    %swap3A_388 = vector.shape_cast %swap3A_387 : vector<1x16xi32> to vector<16xi32>
    %swap3A_389 = vector.shape_cast %mul3A_383 : vector<16xi32> to vector<1x16xi32>
    tpu.vector_store %arg5[%swap3A_385, %swap3A_386], %swap3A_389 {strides = array<i32>} : memref<4x128xi32, #tpu.memory_space<vmem>>, vector<1x16xi32>,
    %get3A_390 = arith.constant 3 : i32
    %get3A_391 = arith.index_cast %get3A_390 : i32 to index
    %get3A_392 = arith.constant 48 : index
    %get3A_393 = tpu.vector_load %arg5[%get3A_391, %get3A_392] {strides = array<i32>} : memref<4x128xi32, #tpu.memory_space<vmem>>, vector<1x16xi32>,
    %get3A_394 = vector.shape_cast %get3A_393 : vector<1x16xi32> to vector<16xi32>
    %mul3A_395 = arith.constant 2 : i32
    %mul3A_396 = vector.broadcast %mul3A_395 : i32 to vector<16xi32>
    %mul3A_397 = arith.muli %get3A_394, %mul3A_396 : vector<16xi32>
    %swap3A_398 = arith.constant 3 : i32
    %swap3A_399 = arith.index_cast %swap3A_398 : i32 to index
    %swap3A_400 = arith.constant 48 : index
    %swap3A_401 = tpu.vector_load %arg5[%swap3A_399, %swap3A_400] {strides = array<i32>} : memref<4x128xi32, #tpu.memory_space<vmem>>, vector<1x16xi32>,
    %swap3A_402 = vector.shape_cast %swap3A_401 : vector<1x16xi32> to vector<16xi32>
    %swap3A_403 = vector.shape_cast %mul3A_397 : vector<16xi32> to vector<1x16xi32>
    tpu.vector_store %arg5[%swap3A_399, %swap3A_400], %swap3A_403 {strides = array<i32>} : memref<4x128xi32, #tpu.memory_space<vmem>>, vector<1x16xi32>,
    %get3A_404 = arith.constant 3 : i32
    %get3A_405 = arith.index_cast %get3A_404 : i32 to index
    %get3A_406 = arith.constant 64 : index
    %get3A_407 = tpu.vector_load %arg5[%get3A_405, %get3A_406] {strides = array<i32>} : memref<4x128xi32, #tpu.memory_space<vmem>>, vector<1x16xi32>,
    %get3A_408 = vector.shape_cast %get3A_407 : vector<1x16xi32> to vector<16xi32>
    %mul3A_409 = arith.constant 2 : i32
    %mul3A_410 = vector.broadcast %mul3A_409 : i32 to vector<16xi32>
    %mul3A_411 = arith.muli %get3A_408, %mul3A_410 : vector<16xi32>
    %swap3A_412 = arith.constant 3 : i32
    %swap3A_413 = arith.index_cast %swap3A_412 : i32 to index
    %swap3A_414 = arith.constant 64 : index
    %swap3A_415 = tpu.vector_load %arg5[%swap3A_413, %swap3A_414] {strides = array<i32>} : memref<4x128xi32, #tpu.memory_space<vmem>>, vector<1x16xi32>,
    %swap3A_416 = vector.shape_cast %swap3A_415 : vector<1x16xi32> to vector<16xi32>
    %swap3A_417 = vector.shape_cast %mul3A_411 : vector<16xi32> to vector<1x16xi32>
    tpu.vector_store %arg5[%swap3A_413, %swap3A_414], %swap3A_417 {strides = array<i32>} : memref<4x128xi32, #tpu.memory_space<vmem>>, vector<1x16xi32>,
    %get3A_418 = arith.constant 3 : i32
    %get3A_419 = arith.index_cast %get3A_418 : i32 to index
    %get3A_420 = arith.constant 80 : index
    %get3A_421 = tpu.vector_load %arg5[%get3A_419, %get3A_420] {strides = array<i32>} : memref<4x128xi32, #tpu.memory_space<vmem>>, vector<1x16xi32>,
    %get3A_422 = vector.shape_cast %get3A_421 : vector<1x16xi32> to vector<16xi32>
    %mul3A_423 = arith.constant 2 : i32
    %mul3A_424 = vector.broadcast %mul3A_423 : i32 to vector<16xi32>
    %mul3A_425 = arith.muli %get3A_422, %mul3A_424 : vector<16xi32>
    %swap3A_426 = arith.constant 3 : i32
    %swap3A_427 = arith.index_cast %swap3A_426 : i32 to index
    %swap3A_428 = arith.constant 80 : index
    %swap3A_429 = tpu.vector_load %arg5[%swap3A_427, %swap3A_428] {strides = array<i32>} : memref<4x128xi32, #tpu.memory_space<vmem>>, vector<1x16xi32>,
    %swap3A_430 = vector.shape_cast %swap3A_429 : vector<1x16xi32> to vector<16xi32>
    %swap3A_431 = vector.shape_cast %mul3A_425 : vector<16xi32> to vector<1x16xi32>
    tpu.vector_store %arg5[%swap3A_427, %swap3A_428], %swap3A_431 {strides = array<i32>} : memref<4x128xi32, #tpu.memory_space<vmem>>, vector<1x16xi32>,
    %get3A_432 = arith.constant 3 : i32
    %get3A_433 = arith.index_cast %get3A_432 : i32 to index
    %get3A_434 = arith.constant 96 : index
    %get3A_435 = tpu.vector_load %arg5[%get3A_433, %get3A_434] {strides = array<i32>} : memref<4x128xi32, #tpu.memory_space<vmem>>, vector<1x16xi32>,
    %get3A_436 = vector.shape_cast %get3A_435 : vector<1x16xi32> to vector<16xi32>
    %mul3A_437 = arith.constant 2 : i32
    %mul3A_438 = vector.broadcast %mul3A_437 : i32 to vector<16xi32>
    %mul3A_439 = arith.muli %get3A_436, %mul3A_438 : vector<16xi32>
    %swap3A_440 = arith.constant 3 : i32
    %swap3A_441 = arith.index_cast %swap3A_440 : i32 to index
    %swap3A_442 = arith.constant 96 : index
    %swap3A_443 = tpu.vector_load %arg5[%swap3A_441, %swap3A_442] {strides = array<i32>} : memref<4x128xi32, #tpu.memory_space<vmem>>, vector<1x16xi32>,
    %swap3A_444 = vector.shape_cast %swap3A_443 : vector<1x16xi32> to vector<16xi32>
    %swap3A_445 = vector.shape_cast %mul3A_439 : vector<16xi32> to vector<1x16xi32>
    tpu.vector_store %arg5[%swap3A_441, %swap3A_442], %swap3A_445 {strides = array<i32>} : memref<4x128xi32, #tpu.memory_space<vmem>>, vector<1x16xi32>,
    %get3A_446 = arith.constant 3 : i32
    %get3A_447 = arith.index_cast %get3A_446 : i32 to index
    %get3A_448 = arith.constant 112 : index
    %get3A_449 = tpu.vector_load %arg5[%get3A_447, %get3A_448] {strides = array<i32>} : memref<4x128xi32, #tpu.memory_space<vmem>>, vector<1x16xi32>,
    %get3A_450 = vector.shape_cast %get3A_449 : vector<1x16xi32> to vector<16xi32>
    %mul3A_451 = arith.constant 2 : i32
    %mul3A_452 = vector.broadcast %mul3A_451 : i32 to vector<16xi32>
    %mul3A_453 = arith.muli %get3A_450, %mul3A_452 : vector<16xi32>
    %swap3A_454 = arith.constant 3 : i32
    %swap3A_455 = arith.index_cast %swap3A_454 : i32 to index
    %swap3A_456 = arith.constant 112 : index
    %swap3A_457 = tpu.vector_load %arg5[%swap3A_455, %swap3A_456] {strides = array<i32>} : memref<4x128xi32, #tpu.memory_space<vmem>>, vector<1x16xi32>,
    %swap3A_458 = vector.shape_cast %swap3A_457 : vector<1x16xi32> to vector<16xi32>
    %swap3A_459 = vector.shape_cast %mul3A_453 : vector<16xi32> to vector<1x16xi32>
    tpu.vector_store %arg5[%swap3A_455, %swap3A_456], %swap3A_459 {strides = array<i32>} : memref<4x128xi32, #tpu.memory_space<vmem>>, vector<1x16xi32>,
    %dma_start3A = arith.constant 0 : i32
    %dma_start3A_460 = arith.constant 0 : i32
    %dma_start3A_461 = arith.constant 0 : i32
    %dma_start3A_462 = tpu.memref_slice %arg6[%dma_start3A_460, %dma_start3A_461] : memref<512x64xf32, #tpu.memory_space<vmem>> -> memref<128x64xf32, #tpu.memory_space<vmem>>
    %dma_start3A_463 = arith.constant 0 : i32
    %dma_start3A_464 = tpu.memref_slice %arg5[%dma_start3A, %dma_start3A_463] : memref<4x128xi32, #tpu.memory_space<vmem>> -> memref<1x128xi32, #tpu.memory_space<vmem>>
    %dma_start3A_465 = tpu.memref_squeeze %dma_start3A_464 : memref<1x128xi32, #tpu.memory_space<vmem>> -> memref<128xi32, #tpu.memory_space<vmem>>
    %dma_start3A_466 = arith.constant 0 : i32
    %dma_start3A_467 = arith.constant 0 : i32
    %dma_start3A_468 = tpu.memref_slice %arg2[%dma_start3A_466, %dma_start3A_467] : memref<2048x64xf32, #tpu.memory_space<hbm>> -> memref<2048x64xf32, #tpu.memory_space<hbm>>
    tpu.enqueue_indirect_dma source(%dma_start3A_468 : memref<2048x64xf32, #tpu.memory_space<hbm>>) target(%dma_start3A_462 : memref<128x64xf32, #tpu.memory_space<vmem>>) offsets(%dma_start3A_465 : memref<128xi32, #tpu.memory_space<vmem>>) semaphore(%arg7 : memref<!tpu.dma_semaphore, #tpu.memory_space<semaphore_mem>>)
    %dma_start3A_469 = arith.constant 1 : i32
    %dma_start3A_470 = arith.constant 128 : i32
    %dma_start3A_471 = arith.constant 0 : i32
    %dma_start3A_472 = tpu.memref_slice %arg6[%dma_start3A_470, %dma_start3A_471] : memref<512x64xf32, #tpu.memory_space<vmem>> -> memref<128x64xf32, #tpu.memory_space<vmem>>
    %dma_start3A_473 = arith.constant 0 : i32
    %dma_start3A_474 = tpu.memref_slice %arg5[%dma_start3A_469, %dma_start3A_473] : memref<4x128xi32, #tpu.memory_space<vmem>> -> memref<1x128xi32, #tpu.memory_space<vmem>>
    %dma_start3A_475 = tpu.memref_squeeze %dma_start3A_474 : memref<1x128xi32, #tpu.memory_space<vmem>> -> memref<128xi32, #tpu.memory_space<vmem>>
    %dma_start3A_476 = arith.constant 0 : i32
    %dma_start3A_477 = arith.constant 0 : i32
    %dma_start3A_478 = tpu.memref_slice %arg2[%dma_start3A_476, %dma_start3A_477] : memref<2048x64xf32, #tpu.memory_space<hbm>> -> memref<2048x64xf32, #tpu.memory_space<hbm>>
    tpu.enqueue_indirect_dma source(%dma_start3A_478 : memref<2048x64xf32, #tpu.memory_space<hbm>>) target(%dma_start3A_472 : memref<128x64xf32, #tpu.memory_space<vmem>>) offsets(%dma_start3A_475 : memref<128xi32, #tpu.memory_space<vmem>>) semaphore(%arg7 : memref<!tpu.dma_semaphore, #tpu.memory_space<semaphore_mem>>)
    %dma_start3A_479 = arith.constant 2 : i32
    %dma_start3A_480 = arith.constant 256 : i32
    %dma_start3A_481 = arith.constant 0 : i32
    %dma_start3A_482 = tpu.memref_slice %arg6[%dma_start3A_480, %dma_start3A_481] : memref<512x64xf32, #tpu.memory_space<vmem>> -> memref<128x64xf32, #tpu.memory_space<vmem>>
    %dma_start3A_483 = arith.constant 0 : i32
    %dma_start3A_484 = tpu.memref_slice %arg5[%dma_start3A_479, %dma_start3A_483] : memref<4x128xi32, #tpu.memory_space<vmem>> -> memref<1x128xi32, #tpu.memory_space<vmem>>
    %dma_start3A_485 = tpu.memref_squeeze %dma_start3A_484 : memref<1x128xi32, #tpu.memory_space<vmem>> -> memref<128xi32, #tpu.memory_space<vmem>>
    %dma_start3A_486 = arith.constant 0 : i32
    %dma_start3A_487 = arith.constant 0 : i32
    %dma_start3A_488 = tpu.memref_slice %arg2[%dma_start3A_486, %dma_start3A_487] : memref<2048x64xf32, #tpu.memory_space<hbm>> -> memref<2048x64xf32, #tpu.memory_space<hbm>>
    tpu.enqueue_indirect_dma source(%dma_start3A_488 : memref<2048x64xf32, #tpu.memory_space<hbm>>) target(%dma_start3A_482 : memref<128x64xf32, #tpu.memory_space<vmem>>) offsets(%dma_start3A_485 : memref<128xi32, #tpu.memory_space<vmem>>) semaphore(%arg7 : memref<!tpu.dma_semaphore, #tpu.memory_space<semaphore_mem>>)
    %dma_start3A_489 = arith.constant 3 : i32
    %dma_start3A_490 = arith.constant 384 : i32
    %dma_start3A_491 = arith.constant 0 : i32
    %dma_start3A_492 = tpu.memref_slice %arg6[%dma_start3A_490, %dma_start3A_491] : memref<512x64xf32, #tpu.memory_space<vmem>> -> memref<128x64xf32, #tpu.memory_space<vmem>>
    %dma_start3A_493 = arith.constant 0 : i32
    %dma_start3A_494 = tpu.memref_slice %arg5[%dma_start3A_489, %dma_start3A_493] : memref<4x128xi32, #tpu.memory_space<vmem>> -> memref<1x128xi32, #tpu.memory_space<vmem>>
    %dma_start3A_495 = tpu.memref_squeeze %dma_start3A_494 : memref<1x128xi32, #tpu.memory_space<vmem>> -> memref<128xi32, #tpu.memory_space<vmem>>
    %dma_start3A_496 = arith.constant 0 : i32
    %dma_start3A_497 = arith.constant 0 : i32
    %dma_start3A_498 = tpu.memref_slice %arg2[%dma_start3A_496, %dma_start3A_497] : memref<2048x64xf32, #tpu.memory_space<hbm>> -> memref<2048x64xf32, #tpu.memory_space<hbm>>
    tpu.enqueue_indirect_dma source(%dma_start3A_498 : memref<2048x64xf32, #tpu.memory_space<hbm>>) target(%dma_start3A_492 : memref<128x64xf32, #tpu.memory_space<vmem>>) offsets(%dma_start3A_495 : memref<128xi32, #tpu.memory_space<vmem>>) semaphore(%arg7 : memref<!tpu.dma_semaphore, #tpu.memory_space<semaphore_mem>>)
    %dma_wait3A = arith.constant 0 : i32
    %dma_wait3A_499 = arith.constant 0 : i32
    %dma_wait3A_500 = arith.constant 0 : i32
    %dma_wait3A_501 = tpu.memref_slice %arg6[%dma_wait3A_499, %dma_wait3A_500] : memref<512x64xf32, #tpu.memory_space<vmem>> -> memref<128x64xf32, #tpu.memory_space<vmem>>
    %dma_wait3A_502 = arith.constant 0 : i32
    %dma_wait3A_503 = tpu.memref_slice %arg5[%dma_wait3A, %dma_wait3A_502] : memref<4x128xi32, #tpu.memory_space<vmem>> -> memref<1x128xi32, #tpu.memory_space<vmem>>
    %dma_wait3A_504 = tpu.memref_squeeze %dma_wait3A_503 : memref<1x128xi32, #tpu.memory_space<vmem>> -> memref<128xi32, #tpu.memory_space<vmem>>
    %dma_wait3A_505 = arith.constant 0 : i32
    %dma_wait3A_506 = arith.constant 0 : i32
    %dma_wait3A_507 = tpu.memref_slice %arg2[%dma_wait3A_505, %dma_wait3A_506] : memref<2048x64xf32, #tpu.memory_space<hbm>> -> memref<2048x64xf32, #tpu.memory_space<hbm>>
    tpu.wait_indirect_dma semaphore(%arg7 : memref<!tpu.dma_semaphore, #tpu.memory_space<semaphore_mem>>) src(%dma_wait3A_507 : memref<2048x64xf32, #tpu.memory_space<hbm>>) dst(%dma_wait3A_501 : memref<128x64xf32, #tpu.memory_space<vmem>>)
    %dma_wait3A_508 = arith.constant 1 : i32
    %dma_wait3A_509 = arith.constant 128 : i32
    %dma_wait3A_510 = arith.constant 0 : i32
    %dma_wait3A_511 = tpu.memref_slice %arg6[%dma_wait3A_509, %dma_wait3A_510] : memref<512x64xf32, #tpu.memory_space<vmem>> -> memref<128x64xf32, #tpu.memory_space<vmem>>
    %dma_wait3A_512 = arith.constant 0 : i32
    %dma_wait3A_513 = tpu.memref_slice %arg5[%dma_wait3A_508, %dma_wait3A_512] : memref<4x128xi32, #tpu.memory_space<vmem>> -> memref<1x128xi32, #tpu.memory_space<vmem>>
    %dma_wait3A_514 = tpu.memref_squeeze %dma_wait3A_513 : memref<1x128xi32, #tpu.memory_space<vmem>> -> memref<128xi32, #tpu.memory_space<vmem>>
    %dma_wait3A_515 = arith.constant 0 : i32
    %dma_wait3A_516 = arith.constant 0 : i32
    %dma_wait3A_517 = tpu.memref_slice %arg2[%dma_wait3A_515, %dma_wait3A_516] : memref<2048x64xf32, #tpu.memory_space<hbm>> -> memref<2048x64xf32, #tpu.memory_space<hbm>>
    tpu.wait_indirect_dma semaphore(%arg7 : memref<!tpu.dma_semaphore, #tpu.memory_space<semaphore_mem>>) src(%dma_wait3A_517 : memref<2048x64xf32, #tpu.memory_space<hbm>>) dst(%dma_wait3A_511 : memref<128x64xf32, #tpu.memory_space<vmem>>)
    %dma_wait3A_518 = arith.constant 2 : i32
    %dma_wait3A_519 = arith.constant 256 : i32
    %dma_wait3A_520 = arith.constant 0 : i32
    %dma_wait3A_521 = tpu.memref_slice %arg6[%dma_wait3A_519, %dma_wait3A_520] : memref<512x64xf32, #tpu.memory_space<vmem>> -> memref<128x64xf32, #tpu.memory_space<vmem>>
    %dma_wait3A_522 = arith.constant 0 : i32
    %dma_wait3A_523 = tpu.memref_slice %arg5[%dma_wait3A_518, %dma_wait3A_522] : memref<4x128xi32, #tpu.memory_space<vmem>> -> memref<1x128xi32, #tpu.memory_space<vmem>>
    %dma_wait3A_524 = tpu.memref_squeeze %dma_wait3A_523 : memref<1x128xi32, #tpu.memory_space<vmem>> -> memref<128xi32, #tpu.memory_space<vmem>>
    %dma_wait3A_525 = arith.constant 0 : i32
    %dma_wait3A_526 = arith.constant 0 : i32
    %dma_wait3A_527 = tpu.memref_slice %arg2[%dma_wait3A_525, %dma_wait3A_526] : memref<2048x64xf32, #tpu.memory_space<hbm>> -> memref<2048x64xf32, #tpu.memory_space<hbm>>
    tpu.wait_indirect_dma semaphore(%arg7 : memref<!tpu.dma_semaphore, #tpu.memory_space<semaphore_mem>>) src(%dma_wait3A_527 : memref<2048x64xf32, #tpu.memory_space<hbm>>) dst(%dma_wait3A_521 : memref<128x64xf32, #tpu.memory_space<vmem>>)
    %dma_wait3A_528 = arith.constant 3 : i32
    %dma_wait3A_529 = arith.constant 384 : i32
    %dma_wait3A_530 = arith.constant 0 : i32
    %dma_wait3A_531 = tpu.memref_slice %arg6[%dma_wait3A_529, %dma_wait3A_530] : memref<512x64xf32, #tpu.memory_space<vmem>> -> memref<128x64xf32, #tpu.memory_space<vmem>>
    %dma_wait3A_532 = arith.constant 0 : i32
    %dma_wait3A_533 = tpu.memref_slice %arg5[%dma_wait3A_528, %dma_wait3A_532] : memref<4x128xi32, #tpu.memory_space<vmem>> -> memref<1x128xi32, #tpu.memory_space<vmem>>
    %dma_wait3A_534 = tpu.memref_squeeze %dma_wait3A_533 : memref<1x128xi32, #tpu.memory_space<vmem>> -> memref<128xi32, #tpu.memory_space<vmem>>
    %dma_wait3A_535 = arith.constant 0 : i32
    %dma_wait3A_536 = arith.constant 0 : i32
    %dma_wait3A_537 = tpu.memref_slice %arg2[%dma_wait3A_535, %dma_wait3A_536] : memref<2048x64xf32, #tpu.memory_space<hbm>> -> memref<2048x64xf32, #tpu.memory_space<hbm>>
    tpu.wait_indirect_dma semaphore(%arg7 : memref<!tpu.dma_semaphore, #tpu.memory_space<semaphore_mem>>) src(%dma_wait3A_537 : memref<2048x64xf32, #tpu.memory_space<hbm>>) dst(%dma_wait3A_531 : memref<128x64xf32, #tpu.memory_space<vmem>>)
    "tpu.region"() ({
      %run_scoped3A_538 = tpu.sem_alloc : memref<!tpu.dma_semaphore, #tpu.memory_space<semaphore_mem>>
      %dma_start3A_539 = arith.constant 0 : i32
      %dma_start3A_540 = tpu.memref_slice %arg4[%mul3A_2, %dma_start3A_539] : memref<16384x128xf32, #tpu.memory_space<hbm>> -> memref<512x64xf32, #tpu.memory_space<hbm>>
      %dma_start3A_541 = arith.constant 0 : i32
      %dma_start3A_542 = tpu.memref_slice %arg4[%mul3A_2, %dma_start3A_541] : memref<16384x128xf32, #tpu.memory_space<hbm>> -> memref<512x64xf32, #tpu.memory_space<hbm>>
      tpu.enqueue_dma source(%arg6 : memref<512x64xf32, #tpu.memory_space<vmem>>) target(%dma_start3A_542 : memref<512x64xf32, #tpu.memory_space<hbm>>) target_semaphore(%run_scoped3A_538 : memref<!tpu.dma_semaphore, #tpu.memory_space<semaphore_mem>>)
      %dma_wait3A_543 = arith.constant 0 : i32
      %dma_wait3A_544 = tpu.memref_slice %arg4[%mul3A_2, %dma_wait3A_543] : memref<16384x128xf32, #tpu.memory_space<hbm>> -> memref<512x64xf32, #tpu.memory_space<hbm>>
      %dma_wait3A_545 = arith.constant 0 : i32
      %dma_wait3A_546 = tpu.memref_slice %arg4[%mul3A_2, %dma_wait3A_545] : memref<16384x128xf32, #tpu.memory_space<hbm>> -> memref<512x64xf32, #tpu.memory_space<hbm>>
      tpu.wait_dma2 semaphore(%run_scoped3A_538 : memref<!tpu.dma_semaphore, #tpu.memory_space<semaphore_mem>>) src(%arg6 : memref<512x64xf32, #tpu.memory_space<vmem>>) dst(%dma_wait3A_546 : memref<512x64xf32, #tpu.memory_space<hbm>>)
      tpu.yield
    }) : () -> ()
    return
  }
}

module attributes {stable_mosaic.version = 14 : i64} {
  func.func @_mlp_body(%arg0: i32, %arg1: memref<32x1024xf32, #tpu.memory_space<vmem>>, %arg2: memref<32x256xf32, #tpu.memory_space<vmem>>, %arg3: memref<256xf32, #tpu.memory_space<vmem>>, %arg4: memref<256x128xf32, #tpu.memory_space<vmem>>, %arg5: memref<128xf32, #tpu.memory_space<vmem>>, %arg6: memref<64x128xf32, #tpu.memory_space<vmem>>, %arg7: memref<64xf32, #tpu.memory_space<vmem>>, %arg8: memref<1024x128xf32, #tpu.memory_space<vmem>>) attributes {dimension_semantics = [#tpu.dimension_semantics<arbitrary>], iteration_bounds = array<i64: 1>, scalar_prefetch = 0 : i64, scratch_operands = 0 : i64, tpu.core_type = #tpu.core_type<tc>, window_params = [{transform_indices = @transform_0, window_bounds = array<i64: 32, 1024>}, {pipeline_mode = #tpu.pipeline_mode<synchronous>, transform_indices = @transform_1, window_bounds = array<i64: 32, 256>}, {pipeline_mode = #tpu.pipeline_mode<synchronous>, transform_indices = @transform_2, window_bounds = array<i64: 256>}, {pipeline_mode = #tpu.pipeline_mode<synchronous>, transform_indices = @transform_3, window_bounds = array<i64: 256, 128>}, {pipeline_mode = #tpu.pipeline_mode<synchronous>, transform_indices = @transform_4, window_bounds = array<i64: 128>}, {pipeline_mode = #tpu.pipeline_mode<synchronous>, transform_indices = @transform_5, window_bounds = array<i64: 64, 128>}, {pipeline_mode = #tpu.pipeline_mode<synchronous>, transform_indices = @transform_6, window_bounds = array<i64: 64>}, {pipeline_mode = #tpu.pipeline_mode<synchronous>, transform_indices = @transform_7, window_bounds = array<i64: 1024, 128>}]} {
    %get3A = arith.constant 0 : index
    %get3A_0 = arith.constant 0 : index
    %get3A_1 = vector.load %arg2[%get3A, %get3A_0] : memref<32x256xf32, #tpu.memory_space<vmem>>, vector<32x256xf32>
    %get3A_2 = arith.constant 0 : index
    %get3A_3 = arith.constant 0 : index
    %get3A_4 = vector.load %arg1[%get3A_2, %get3A_3] : memref<32x1024xf32, #tpu.memory_space<vmem>>, vector<32x1024xf32>
    %dot_general3A = arith.constant dense<0.000000e+00> : vector<256x1024xf32>
    %dot_general3A_5 = tpu.matmul %get3A_1, %get3A_4, %dot_general3A {dimension_numbers = #tpu.dot_dimension_numbers<[0], [0], [1], [1], [0, 1, 1, 1], [], []>, transpose_lhs_hint = false} : vector<32x256xf32>, vector<32x1024xf32>, vector<256x1024xf32> -> vector<256x1024xf32>
    %get3A_6 = arith.constant 0 : index
    %get3A_7 = vector.load %arg3[%get3A_6] : memref<256xf32, #tpu.memory_space<vmem>>, vector<256xf32>
    %broadcast_in_dim3A = vector.shape_cast %get3A_7 : vector<256xf32> to vector<256x1xf32>
    %add3A = vector.broadcast %broadcast_in_dim3A : vector<256x1xf32> to vector<256x1024xf32>
    %add3A_8 = arith.addf %dot_general3A_5, %add3A : vector<256x1024xf32>
    %max3A = arith.constant 0.000000e+00 : f32
    %max3A_9 = vector.broadcast %max3A : f32 to vector<256x1024xf32>
    %max3A_10 = arith.maximumf %add3A_8, %max3A_9 : vector<256x1024xf32>
    %get3A_11 = arith.constant 0 : index
    %get3A_12 = arith.constant 0 : index
    %get3A_13 = vector.load %arg4[%get3A_11, %get3A_12] : memref<256x128xf32, #tpu.memory_space<vmem>>, vector<256x128xf32>
    %dot_general3A_14 = arith.constant dense<0.000000e+00> : vector<128x1024xf32>
    %dot_general3A_15 = tpu.matmul %get3A_13, %max3A_10, %dot_general3A_14 {dimension_numbers = #tpu.dot_dimension_numbers<[0], [0], [1], [1], [0, 1, 1, 1], [], []>, transpose_lhs_hint = false} : vector<256x128xf32>, vector<256x1024xf32>, vector<128x1024xf32> -> vector<128x1024xf32>
    %get3A_16 = arith.constant 0 : index
    %get3A_17 = vector.load %arg5[%get3A_16] : memref<128xf32, #tpu.memory_space<vmem>>, vector<128xf32>
    %broadcast_in_dim3A_18 = vector.shape_cast %get3A_17 : vector<128xf32> to vector<128x1xf32>
    %add3A_19 = vector.broadcast %broadcast_in_dim3A_18 : vector<128x1xf32> to vector<128x1024xf32>
    %add3A_20 = arith.addf %dot_general3A_15, %add3A_19 : vector<128x1024xf32>
    %max3A_21 = arith.constant 0.000000e+00 : f32
    %max3A_22 = vector.broadcast %max3A_21 : f32 to vector<128x1024xf32>
    %max3A_23 = arith.maximumf %add3A_20, %max3A_22 : vector<128x1024xf32>
    %get3A_24 = arith.constant 0 : index
    %get3A_25 = arith.constant 0 : index
    %get3A_26 = vector.load %arg6[%get3A_24, %get3A_25] : memref<64x128xf32, #tpu.memory_space<vmem>>, vector<64x128xf32>
    %dot_general3A_27 = arith.constant dense<0.000000e+00> : vector<64x1024xf32>
    %dot_general3A_28 = tpu.matmul %get3A_26, %max3A_23, %dot_general3A_27 {dimension_numbers = #tpu.dot_dimension_numbers<[1], [0], [0], [1], [0, 0, 1, 1], [], []>, transpose_lhs_hint = false} : vector<64x128xf32>, vector<128x1024xf32>, vector<64x1024xf32> -> vector<64x1024xf32>
    %get3A_29 = arith.constant 0 : index
    %get3A_30 = vector.load %arg7[%get3A_29] : memref<64xf32, #tpu.memory_space<vmem>>, vector<64xf32>
    %broadcast_in_dim3A_31 = vector.shape_cast %get3A_30 : vector<64xf32> to vector<64x1xf32>
    %add3A_32 = vector.broadcast %broadcast_in_dim3A_31 : vector<64x1xf32> to vector<64x1024xf32>
    %add3A_33 = arith.addf %dot_general3A_28, %add3A_32 : vector<64x1024xf32>
    %transpose3A = tpu.transpose %add3A_33, [1, 0] : vector<64x1024xf32> -> vector<1024x64xf32>
    %swap3A = arith.constant 0 : index
    %swap3A_34 = arith.constant 0 : index
    %swap3A_35 = vector.load %arg8[%swap3A, %swap3A_34] : memref<1024x128xf32, #tpu.memory_space<vmem>>, vector<1024x64xf32>
    tpu.vector_store %arg8[%swap3A, %swap3A_34], %transpose3A {strides = array<i32>} : memref<1024x128xf32, #tpu.memory_space<vmem>>, vector<1024x64xf32>,
    return
  }
  func.func @transform_0(%arg0: i32) -> (i32, i32) {
    %c0_i32 = arith.constant 0 : i32
    %c0_i32_0 = arith.constant 0 : i32
    %c0_i32_1 = arith.constant 0 : i32
    return %c0_i32, %c0_i32_0 : i32, i32
  }
  func.func @transform_1(%arg0: i32) -> (i32, i32) {
    %c0_i32 = arith.constant 0 : i32
    %c0_i32_0 = arith.constant 0 : i32
    %c0_i32_1 = arith.constant 0 : i32
    return %c0_i32, %c0_i32_0 : i32, i32
  }
  func.func @transform_2(%arg0: i32) -> i32 {
    %c0_i32 = arith.constant 0 : i32
    %c0_i32_0 = arith.constant 0 : i32
    return %c0_i32 : i32
  }
  func.func @transform_3(%arg0: i32) -> (i32, i32) {
    %c0_i32 = arith.constant 0 : i32
    %c0_i32_0 = arith.constant 0 : i32
    %c0_i32_1 = arith.constant 0 : i32
    return %c0_i32, %c0_i32_0 : i32, i32
  }
  func.func @transform_4(%arg0: i32) -> i32 {
    %c0_i32 = arith.constant 0 : i32
    %c0_i32_0 = arith.constant 0 : i32
    return %c0_i32 : i32
  }
  func.func @transform_5(%arg0: i32) -> (i32, i32) {
    %c0_i32 = arith.constant 0 : i32
    %c0_i32_0 = arith.constant 0 : i32
    %c0_i32_1 = arith.constant 0 : i32
    return %c0_i32, %c0_i32_0 : i32, i32
  }
  func.func @transform_6(%arg0: i32) -> i32 {
    %c0_i32 = arith.constant 0 : i32
    %c0_i32_0 = arith.constant 0 : i32
    return %c0_i32 : i32
  }
  func.func @transform_7(%arg0: i32) -> (i32, i32) {
    %c0_i32 = arith.constant 0 : i32
    %c0_i32_0 = arith.constant 0 : i32
    %c0_i32_1 = arith.constant 0 : i32
    return %c0_i32, %c0_i32_0 : i32, i32
  }
}

</mosaic_0001>

<sc_bundles>
// kernel: kernel.4.cloned.1.call-start
scs
__scs_entry_jumppad:
0x0: {  	(pc) =	sbr.rel $0x88, $3  }
0x1: {  	(tag) =	ssettag $0x0;
	lr =	simm.s32 $0x1  }
0x2: {  	[smem:$0x3F99] =	sst lr;
	_ =	strace $0xD0000000  }
0x3: {  	_ = 	snop  }
0x4: {  	_ = 	snop  }
0x5: {  	_ = 	snop  }
0x6: {  	_ = 	snop  }
0x7: {  	_ = 	snop  }
__scs_overlays_trampoline_lowered:
0x8: {  	[smem:$0x3FA8] =	sst s0  }
0x9: {  	[smem:$0x3FA9] =	sst s1  }
0xa: {  	[smem:$0x3FAA] =	sst s2  }
0xb: {  	[smem:$0x3FAB] =	sst s3  }
0xc: {  	[smem:$0x3FAC] =	sst s4  }
0xd: {  	[smem:$0x3FAD] =	sst s5  }
0xe: {  	[smem:$0x3FAE] =	sst s6  }
0xf: {  	[smem:$0x3FAF] =	sst s7  }
0x10: {  	[smem:$0x3FB0] =	sst s8  }
0x11: {  	[smem:$0x3FB1] =	sst s9;
	s0 =	simm.s32 @!p0 $0x0  }
0x12: {  	s1 =	sld [smem:$0x3F97];
	s0 =	simm.s32 @p0 $0x1  }
0x13: {  	[smem:$0x3FB2] =	sst s0;
	s0 =	simm.s32 @!p1 $0x0  }
0x14: {  	s2 =	sld [smem:$0x3F96];
	s0 =	simm.s32 @p1 $0x1  }
0x15: {  	[smem:$0x3FB3] =	sst s0;
	s0 =	simm.s32 @!p2 $0x0  }
0x16: {  	s3 =	sld [smem:$0x3FDB];
	s0 =	simm.s32 @p2 $0x1  }
0x17: {  	s4 =	simm.s32 $0x1BF5;
	[smem:$0x3FB5] =	sst s0  }
0x18: {  	s0 =	sld [smem:$0x3F98];
	_ =	swait.ge [sflag:s4], $0x0  }
0x19: {  	s7 =	sld [smem:$0x3F99]  }
0x1a: {  	s8 =	sadd.s32 $0xFFFFE003, lr  }
0x1b: {  	s9 =	sadd.s32 $0xFFFFFEF7, lr;
	s5 =	simm.s32 $0xFFFFFFFF;
	p2 =	slt.u32 s8, $0xFFFFF086  }
0x1c: {  	p1 =	slt.u32 s9, $0xF7A;
	s5 =	simm.s32 @!p2 $0x0  }
0x1d: {  	s5 =	simm.s32 @p1 $0x1;
	p0 =	seq.s32 s7, s2  }
0x1e: {  	s7 =	smul.u32 @!p0 $0xF7A, s2;
	p2 =	seq.s32 @!p0 s5, $0x0  }
0x1f: {  	s9 =	smul.u32 $0xF7A, s1;
	s8 =	simm.s32 @!p0 $0x1BF5;
	p2 =	por !p2, p0  }
0x20: {  	[sflag:s8] =	ssyncset.s32 @!p0 $0xFFFFF086;
	s6 =	sadd.s32 @!p0 s3, s7;
	s7 =	simm.s32 @!p0 $0x108  }
0x21: {  	s3 =	sadd.s32 s3, s9;
	s6 =	sadd.s32 @!p0 $0x88, s6;
	s7 =	simm.s32 @p2 $0x1082  }
0x22: {  	[simem:s7], [sflag:s8] =	dma.local @!p0 [hbm:s6], $0xF7A  }
0x23: {  	s9 =	sor.u32 $0xD0000000, s2;
	s6 =	simm.s32 $0x108;
	_ =	swait.ge @!p0 [sflag:s8], $0x0  }
0x24: {  	s3 =	sadd.s32 $0x88, s3;
	s6 =	simm.s32 @!p1 $0x1082;
	[sflag:s4] =	ssyncset.s32 $0xFFFFF086  }
0x25: {  	[simem:s6], [sflag:s4] =	dma.local [hbm:s3], $0xF7A  }
0x26: {  	[smem:$0x3F99] =	sst s1;
	(tag) =	ssettag s2;
	_ =	strace s9  }
0x27: {  	s1 =	sld [smem:$0x3FA9]  }
0x28: {  	s2 =	sld [smem:$0x3FAA]  }
0x29: {  	s4 =	sld [smem:$0x3FAC]  }
0x2a: {  	p0 =	seq.s32 s5, $0x0;
	s5 =	sld [smem:$0x3FAD]  }
0x2b: {  	s6 =	sld [smem:$0x3FAE]  }
0x2c: {  	s7 =	sld [smem:$0x3FAF]  }
0x2d: {  	s3 =	simm.s32 $0x108;
	s8 =	sld [smem:$0x3FB0]  }
0x2e: {  	s3 =	simm.s32 @!p0 $0x1082;
	s9 =	sld [smem:$0x3FB1]  }
0x2f: {  	lr =	sadd.s32 s0, s3;
	s0 =	sld [smem:$0x3FA8]  }
0x30: {  	s3 =	sld [smem:$0x3FAB]  }
0x31: {  	[smem:$0x3FB4] =	sst s10  }
0x32: {  	s10 =	sld [smem:$0x3FB2];
	_ =	sdelay $0x3  }
0x33: {  	p0 =	seq.s32 s10, $0x1;
	s10 =	sld [smem:$0x3FB4];
	_ =	sdelay $0x3  }
0x34: {  	[smem:$0x3FB4] =	sst s10  }
0x35: {  	s10 =	sld [smem:$0x3FB3];
	_ =	sdelay $0x3  }
0x36: {  	p1 =	seq.s32 s10, $0x1;
	s10 =	sld [smem:$0x3FB4];
	_ =	sdelay $0x3  }
0x37: {  	[smem:$0x3FB4] =	sst s10  }
0x38: {  	s10 =	sld [smem:$0x3FB5]  }
0x39: {  	_ = 	snop;
	(pc) =	sbr.ind lr, $3  }
0x3a: {  	_ = 	snop  }
0x3b: {  	_ = 	snop  }
0x3c: {  	p2 =	seq.s32 s10, $0x1;
	s10 =	sld [smem:$0x3FB4]  }
0x3d: {  	_ =	shalt  }
0x3e: {  	_ =	shalt  }
0x3f: {  	_ =	shalt  }
0x40: {  	_ =	shalt  }
0x41: {  	_ =	shalt  }
0x42: {  	_ =	shalt  }
0x43: {  	_ =	shalt  }
0x44: {  	_ =	shalt  }
0x45: {  	_ =	shalt  }
0x46: {  	_ =	shalt  }
0x47: {  	_ =	shalt  }
0x48: {  	_ =	shalt  }
0x49: {  	_ =	shalt  }
0x4a: {  	_ =	shalt  }
0x4b: {  	_ =	shalt  }
0x4c: {  	_ =	shalt  }
0x4d: {  	_ =	shalt  }
0x4e: {  	_ =	shalt  }
0x4f: {  	_ =	shalt  }
0x50: {  	_ =	shalt  }
0x51: {  	_ =	shalt  }
0x52: {  	_ =	shalt  }
0x53: {  	_ =	shalt  }
0x54: {  	_ =	shalt  }
0x55: {  	_ =	shalt  }
0x56: {  	_ =	shalt  }
0x57: {  	_ =	shalt  }
0x58: {  	_ =	shalt  }
0x59: {  	_ =	shalt  }
0x5a: {  	_ =	shalt  }
0x5b: {  	_ =	shalt  }
0x5c: {  	_ =	shalt  }
0x5d: {  	_ =	shalt  }
0x5e: {  	_ =	shalt  }
0x5f: {  	_ =	shalt  }
0x60: {  	_ =	shalt  }
0x61: {  	_ =	shalt  }
0x62: {  	_ =	shalt  }
0x63: {  	_ =	shalt  }
0x64: {  	_ =	shalt  }
0x65: {  	_ =	shalt  }
0x66: {  	_ =	shalt  }
0x67: {  	_ =	shalt  }
0x68: {  	_ =	shalt  }
0x69: {  	_ =	shalt  }
0x6a: {  	_ =	shalt  }
0x6b: {  	_ =	shalt  }
0x6c: {  	_ =	shalt  }
0x6d: {  	_ =	shalt  }
0x6e: {  	_ =	shalt  }
0x6f: {  	_ =	shalt  }
0x70: {  	_ =	shalt  }
0x71: {  	_ =	shalt  }
0x72: {  	_ =	shalt  }
0x73: {  	_ =	shalt  }
0x74: {  	_ =	shalt  }
0x75: {  	_ =	shalt  }
0x76: {  	_ =	shalt  }
0x77: {  	_ =	shalt  }
0x78: {  	_ =	shalt  }
0x79: {  	_ =	shalt  }
0x7a: {  	_ =	shalt  }
0x7b: {  	_ =	shalt  }
0x7c: {  	_ =	shalt  }
0x7d: {  	_ =	shalt  }
0x7e: {  	_ =	shalt  }
0x7f: {  	_ =	shalt  }
0x80: {  	_ =	shalt  }
0x81: {  	_ =	shalt  }
0x82: {  	_ =	shalt  }
0x83: {  	_ =	shalt  }
0x84: {  	_ =	shalt  }
0x85: {  	_ =	shalt  }
0x86: {  	_ =	shalt  }
0x87: {  	_ =	shalt  }
.Lfunc_end0:
.L_simem_size_0:
called_computation_lowered:
.L_overlay_start_0:
0x88: {  	s2 =	sld [smem:$0x3FD9]  }
0x89: {  	s3 =	sld [smem:$0x3FFE];
	_ =	sdelay $0x1  }
0x8a: {  	s1 =	srdreg.scid  }
0x8b: {  	s0 =	sand.u32 $0x1, s1  }
0x8c: {  	s17 =	sshll.u32 s0, $0xA;
	s2 =	sadd.s32 s3, s2  }
0x8d: {  	s2 =	sadd.s32 s2, s17  }
0x8e: {  	[smem:$0x3FC0] =	sst s2  }
0x8f: {  	_ = 	snop  }
0x90: {  	s2 =	sld [smem:$0x3FC9]  }
0x91: {  	s18 =	sld [smem:$0x3FD0];
	(tm) =	ssettm $0x1  }
0x92: {  	s4 =	sld [smem:$0x3FFB];
	_ =	sdelay $0x3  }
0x93: {  	_ =	strace s4  }
0x94: {  	s4 =	sld [smem:$0x3FFC];
	_ =	sdelay $0x3  }
0x95: {  	_ =	strace s4  }
0x96: {  	s4 =	sld [smem:$0x3FFD];
	_ =	sdelay $0x3  }
0x97: {  	_ =	strace s4  }
0x98: {  	_ =	strace $0x8FFFFFFF  }
0x99: {  	s19 =	sld [smem:$0x3FDB];
	_ =	sdelay $0x1  }
0x9a: {  	s5 =	simm.s32 $_scs_section_size  }
0x9b: {  	s6 =	simm.s32 $_size__tile_overlayer_lowered;
	s7 =	simm.s32 $_tile_overlayer_lowered  }
0x9c: {  	s22 =	simm.s32 $0x1BFF;
	s21 =	sshll.u32 s7, $0x1;
	s4 =	sadd.s32 s5, s19  }
0x9d: {  	s8 =	simm.s32 $0x0;
	s20 =	sshll.u32 s6, $0x1;
	s6 =	sadd.s32 s21, s4  }
0x9e: {  	[timem:s8], [sflag:s22] =	dma.local [hbm:s6], s20  }
0x9f: {  	_ =	swait.ge [sflag:s22], s20  }
0xa0: {  	s5 =	ssub.s32 $0x0, s20;
	[sflag:s22] =	ssyncset.done $0x0  }
0xa1: {  	[sflag:s22] =	ssyncadd.s32 s5;
	_ =	sdelay $0x1  }
0xa2: {  	s23 =	simm.s32 $0x1B8B  }
0xa3: {  	_ =	swait.ge [sflag:s23], $0x1  }
0xa4: {  	[sflag:s23] =	ssyncset.done $0x0  }
0xa5: {  	s25 =	simm.s32 $0x1B8E;
	s24 =	sld [smem:$0x3FFE];
	[sflag:s23] =	ssyncadd.s32 $0xFFFFFFFF  }
0xa6: {  	s26 =	simm.s32 $execute0_lowered;
	[smem:$0x3FD2] =	sst s25  }
0xa7: {  	s6 =	sshll.u32 s26, $0x1;
	_ =	strace $0x80000046;
	[dreg:$0x1] =	wrdreg $0xFFFFFFFF  }
0xa8: {  	s28 =	simm.s32 $_size_execute0_lowered;
	s4 =	sadd.s32 s4, s6;
	[dreg:$0x0] =	wrdreg $0x0  }
0xa9: {  	s6 =	sshll.u32 s28, $0x1;
	[dreg:$0x2] =	wrdreg s4  }
0xaa: {  	[dreg:$0x3] =	wrdreg s6  }
0xab: {  	[dreg:$0x4] =	wrdreg $0xC0  }
0xac: {  	_ =	task [dreg:s8], $0x5FFFF  }
0xad: {  	[dreg:$0x1] =	wrdreg $0xFFFFFFFF  }
0xae: {  	[dreg:$0x0] =	wrdreg $0x60  }
0xaf: {  	[dreg:$0x2] =	wrdreg s18  }
0xb0: {  	[dreg:$0x3] =	wrdreg s2  }
0xb1: {  	[dreg:$0x4] =	wrdreg s24  }
0xb2: {  	[dreg:$0x5] =	wrdreg $0x9  }
0xb3: {  	_ =	task.clear_ibuf [dreg:s8], $0x6FFFF;
	_ =	strace $0x90000046  }
0xb4: {  	s29 =	simm.s32 $0x9;
	_ =	strace $0x80000048  }
0xb5: {  	_ =	swait.ge [sflag:s29], $0x1  }
0xb6: {  	[sflag:s29] =	ssyncadd.s32 $0xFFFFFFFF  }
0xb7: {  	_ =	strace $0x90000048  }
0xb8: {  	_ =	sfence  }
0xb9: {  	s30 =	sld [smem:$0x0];
	_ =	sdelay $0x2  }
0xba: {  	s31 =	sshll.u32 s1, $0xD;
	s1 =	sshrl.u32 s1, $0x2  }
0xbb: {  	s3 =	sand.u32 $0x4000, s31;
	s1 =	sadd.s32 s1, s30  }
0xbc: {  	s0 =	sor.u32 s3, s0;
	s1 =	sshll.u32 s1, $0x11  }
0xbd: {  	s0 =	sor.u32 s1, s0  }
0xbe: {  	s0 =	sadd.s32 $0x8F2B, s0  }
0xbf: {  	[sflag:s0] =	ssyncadd.remote.s32 $0x1  }
0xc0: {  	_ =	sfence.sel $0xFFFF  }
0xc1: {  	[dreg:$0x0] =	wrdreg $0xFFFFFFFF;
	(pc) =	sbr.abs _section_cstart, $3  }
0xc2: {  	[dreg:$0x1] =	wrdreg $0xFFFFFFFF  }
0xc3: {  	_ =	task.clear_ibuf [dreg:s8], $0x2FFFF;
	_ =	strace $0x9FFFFFFF  }
0xc4: {  	(tm) =	ssettm $0x7FFFFFFF  }
0xc5: {  	_ =	shalt  }
tec
execute0_lowered:
.L_overlay_start_1:
0x0: {  	(tag) =	ssettag $0x1  }
0x1: {  	s3 =	rddreg [dreg:$0x0];
	s1 =	srdreg.scid  }
0x2: {  	s2 =	rddreg [dreg:$0x1];
	s0 =	stileid.u32;
	s7 =	sand.u32 $0x1, s1  }
0x3: {  	s8 =	rddreg [dreg:$0x2];
	s4 =	sshll.u32 s0, $0xA;
	s6 =	sshll.u32 s7, $0x9  }
0x4: {  	s5 =	simm.s32 $0x0;
	s1 =	rddreg [dreg:$0x3];
	s9 =	sor.u32 s6, s4  }
0x5: {  	[smem:$0x7FF] =	sst s5;
	s4 =	sshrl.u32 s9, $0x3  }
0x6: {  	_ =	strace $0x80000047;
	s15 =	sadd.s32 s2, s4;
	s2 =	simm.s32 $0x2  }
0x7: {  	[tilespmem:s5], [sflag:$0x2] =	stream.linear.gather [hbm4b:s15+s5], $0x80, $0x38;
	[tilespmem:$0x8200] =	vst v63  }
0x8: {  	_ =	swait.ge [sflag:s2], $0x80  }
0x9: {  	[sflag:s2] =	ssyncset.done $0x0  }
0xa: {  	s4 =	simm.s32 $0x80;
	s16 =	sadd.s32 $0x10, s15;
	[sflag:s2] =	ssyncadd.s32 $0xFFFFFF80  }
0xb: {  	[tilespmem:s4], [sflag:$0x2] =	stream.linear.gather [hbm4b:s16+s5], $0x80, $0x38;
	[tilespmem:$0x8200] =	vst v63  }
0xc: {  	_ =	swait.ge [sflag:s2], $0x80  }
0xd: {  	s7 =	ssub.s32 $0x2, s7;
	s6 =	simm.s32 $0x100;
	[sflag:s2] =	ssyncset.done $0x0  }
0xe: {  	s11 =	sshrl.u32 s7, $0x1;
	s17 =	sadd.s32 $0x20, s15;
	[sflag:s2] =	ssyncadd.s32 $0xFFFFFF80  }
0xf: {  	[tilespmem:s6], [sflag:$0x2] =	stream.linear.gather [hbm4b:s17+s5], $0x80, $0x38;
	[tilespmem:$0x8200] =	vst v63  }
0x10: {  	s10 =	sshll.u32 s9, $0x4;
	s31 =	ssub.s32 s7, s11;
	_ =	swait.ge [sflag:s2], $0x80  }
0x11: {  	s9 =	simm.s32 $0x180;
	s19 =	smax.u32 s31, $0x1;
	[sflag:s2] =	ssyncset.done $0x0  }
0x12: {  	s18 =	sadd.s32 $0x30, s15;
	p0 =	sne.s32 s19, $0x1;
	[sflag:s2] =	ssyncadd.s32 $0xFFFFFF80  }
0x13: {  	[tilespmem:s9], [sflag:$0x2] =	stream.linear.gather [hbm4b:s18+s5], $0x80, $0x38;
	[tilespmem:$0x8200] =	vst v63  }
.Ltmp0:
0x14: {  	_ =	swait.ge [sflag:s2], $0x80;
	(pc) =	sbr.rel @!p0 .LBB2_2-.Ltmp0, $4  }
0x15: {  	s12 =	simm.s32 $0x2200;
	[sflag:s2] =	ssyncset.done $0x0  }
0x16: {  	s13 =	simm.s32 $0x4200;
	s14 =	simm.s32 $0x6200;
	[sflag:s2] =	ssyncadd.s32 $0xFFFFFF80  }
0x17: {  	s11 =	simm.s32 $0x40;
	s8 =	sadd.s32 s10, s8;
	s10 =	simm.s32 $0x1;
	v0 =	vld [tilespmem:$0x1C0]  }
0x18: {  	s7 =	sadd.s32 $0x1400, s8;
	s8 =	simm.s32 $0x200;
	s19 =	sadd.s32 $0xFFFFFFFF, s19;
	v1 =	vld [tilespmem:$0x1D0]  }
.LBB2_1:
0x19: {  	p0 =	sne.s32 s19, $0x1;
	s19 =	sadd.s32 $0xFFFFFFFF, s19;
	v2 =	vld [tilespmem:$0x1E0]  }
0x1a: {  	v3 =	vld [tilespmem:$0x20]  }
0x1b: {  	v4 =	vld [tilespmem:$0x0]  }
0x1c: {  	v5 =	vld [tilespmem:$0x130]  }
0x1d: {  	v6 =	vld [tilespmem:$0x80]  }
0x1e: {  	v1 =	vshll.u32 v1, $0x1;
	v2 =	vshll.u32 v2, $0x1;
	v7 =	vld [tilespmem:$0x1F0]  }
0x1f: {  	v0 =	vshll.u32 v0, $0x1;
	v3 =	vshll.u32 v3, $0x1;
	v8 =	vld [tilespmem:$0x1B0];
	[tilespmem:$0x1E0] =	vst v2  }
0x20: {  	v2 =	vshll.u32 v4, $0x1;
	[tilespmem:$0x20] =	vst v3;
	v3 =	vld [tilespmem:$0x170]  }
0x21: {  	v4 =	vshll.u32 v5, $0x1;
	v5 =	vld [tilespmem:$0x190];
	[tilespmem:$0x1D0] =	vst v1  }
0x22: {  	v1 =	vld [tilespmem:$0x40];
	[tilespmem:$0x1C0] =	vst v0  }
0x23: {  	v0 =	vld [tilespmem:$0x50];
	[tilespmem:$0x130] =	vst v4;
	v4 =	vshll.u32 v7, $0x1  }
0x24: {  	v7 =	vld [tilespmem:$0x60];
	v8 =	vshll.u32 v8, $0x1;
	[tilespmem:$0x1F0] =	vst v4  }
0x25: {  	v4 =	vld [tilespmem:$0x70];
	v3 =	vshll.u32 v3, $0x1;
	[tilespmem:$0x1B0] =	vst v8  }
0x26: {  	v8 =	vld [tilespmem:$0x160];
	[tilespmem:$0x170] =	vst v3;
	v3 =	vshll.u32 v5, $0x1  }
0x27: {  	v1 =	vshll.u32 v1, $0x1;
	v5 =	vld [tilespmem:$0x90];
	[tilespmem:$0x190] =	vst v3  }
0x28: {  	[tilespmem:$0x40] =	vst v1;
	v0 =	vshll.u32 v0, $0x1;
	v1 =	vld [tilespmem:$0x180]  }
0x29: {  	[tilespmem:$0x50] =	vst v0;
	v0 =	vshll.u32 v7, $0x1;
	v3 =	vld [tilespmem:$0xA0]  }
0x2a: {  	[tilespmem:$0x60] =	vst v0;
	v0 =	vshll.u32 v4, $0x1;
	v4 =	vld [tilespmem:$0x150]  }
0x2b: {  	v7 =	vld [tilespmem:$0x30];
	[tilespmem:$0x70] =	vst v0;
	v0 =	vshll.u32 v6, $0x1;
	v6 =	vshll.u32 v8, $0x1  }
0x2c: {  	v8 =	vld [tilespmem:$0x140];
	[tilespmem:$0x160] =	vst v6  }
0x2d: {  	[tilespmem:$0x80] =	vst v0;
	v0 =	vshll.u32 v5, $0x1;
	v5 =	vld [tilespmem:$0xC0];
	v1 =	vshll.u32 v1, $0x1  }
0x2e: {  	v3 =	vshll.u32 v3, $0x1;
	v6 =	vld [tilespmem:$0xB0];
	[tilespmem:$0x180] =	vst v1  }
0x2f: {  	[tilespmem:$0xA0] =	vst v3;
	v1 =	vld [tilespmem:$0xD0];
	v3 =	vshll.u32 v4, $0x1  }
0x30: {  	v4 =	vld [tilespmem:$0x120];
	[tilespmem:$0x150] =	vst v3  }
0x31: {  	v3 =	vshll.u32 v7, $0x1;
	[tilespmem:$0x90] =	vst v0;
	v0 =	vld [tilespmem:$0xE0];
	v7 =	vshll.u32 v8, $0x1  }
0x32: {  	v5 =	vshll.u32 v5, $0x1;
	v8 =	vld [tilespmem:$0x110];
	[tilespmem:$0x140] =	vst v7  }
0x33: {  	v7 =	vld [tilespmem:$0x10];
	v6 =	vshll.u32 v6, $0x1;
	[tilespmem:$0xC0] =	vst v5  }
0x34: {  	[tilespmem:$0xB0] =	vst v6;
	v5 =	vld [tilespmem:$0x100]  }
0x35: {  	v1 =	vshll.u32 v1, $0x1;
	[tilespmem:$0x30] =	vst v3;
	v3 =	vshll.u32 v4, $0x1  }
0x36: {  	v0 =	vshll.u32 v0, $0x1;
	[tilespmem:$0x120] =	vst v3  }
0x37: {  	[tilespmem:$0xE0] =	vst v0;
	v0 =	vshll.u32 v8, $0x1;
	v3 =	vld [tilespmem:$0x1A0]  }
0x38: {  	v4 =	vld [tilespmem:$0xF0];
	[tilespmem:$0x110] =	vst v0  }
0x39: {  	v0 =	vshll.u32 v7, $0x1;
	[tilespmem:$0xD0] =	vst v1;
	v1 =	vshll.u32 v5, $0x1  }
0x3a: {  	[tilespmem:$0x100] =	vst v1  }
0x3b: {  	[tilespmem:$0x10] =	vst v0  }
0x3c: {  	[tilespmem:$0x0] =	vst v2;
	v0 =	vshll.u32 v3, $0x1  }
0x3d: {  	v1 =	vshll.u32 v4, $0x1;
	[tilespmem:$0x1A0] =	vst v0  }
0x3e: {  	[tilespmem:$0xF0] =	vst v1  }
0x3f: {  	[tilespmem:s8], [sflag:$0x1] =	stream.indirect.gather [hbm4b:s3+s4], $0x40, s5, s4, $0xb8;
	[tilespmem:$0x8200] =	vst v63  }
0x40: {  	_ = 	snop  }
0x41: {  	[tilespmem:s12], [sflag:$0x1] =	stream.indirect.gather [hbm4b:s3+s4], $0x40, s4, s4, $0xb8;
	[tilespmem:$0x8200] =	vst v63  }
0x42: {  	_ = 	snop  }
0x43: {  	[tilespmem:s13], [sflag:$0x1] =	stream.indirect.gather [hbm4b:s3+s4], $0x40, s6, s4, $0xb8;
	[tilespmem:$0x8200] =	vst v63  }
0x44: {  	_ = 	snop  }
0x45: {  	[tilespmem:s14], [sflag:$0x1] =	stream.indirect.gather [hbm4b:s3+s4], $0x40, s9, s4, $0xb8;
	[tilespmem:$0x8200] =	vst v63  }
0x46: {  	_ =	swait.ge [sflag:s10], $0x2000  }
0x47: {  	[sflag:s10] =	ssyncset.done $0x0  }
0x48: {  	[sflag:s10] =	ssyncadd.s32 $0xFFFFE000  }
0x49: {  	_ =	swait.ge [sflag:s10], $0x2000  }
0x4a: {  	[sflag:s10] =	ssyncset.done $0x0  }
0x4b: {  	[sflag:s10] =	ssyncadd.s32 $0xFFFFE000  }
0x4c: {  	_ =	swait.ge [sflag:s10], $0x2000  }
0x4d: {  	[sflag:s10] =	ssyncset.done $0x0  }
0x4e: {  	[sflag:s10] =	ssyncadd.s32 $0xFFFFE000  }
0x4f: {  	_ =	swait.ge [sflag:s10], $0x2000  }
0x50: {  	[sflag:s10] =	ssyncset.done $0x0  }
0x51: {  	[sflag:s10] =	ssyncadd.s32 $0xFFFFE000  }
0x52: {  	[hbm4b:s7+s11] =	stream.strided.scatter [tilespmem:s8], [sflag:$0x2], $0x8000, s4, s11, $0x38;
	[tilespmem:$0x8200] =	vst v63  }
0x53: {  	_ =	swait.ge [sflag:s2], $0x8000  }
0x54: {  	[sflag:s2] =	ssyncset.done $0x0  }
0x55: {  	[sflag:s2] =	ssyncadd.s32 $0xFFFF8000  }
0x56: {  	[tilespmem:s5], [sflag:$0x2] =	stream.linear.gather [hbm4b:s15+s5], $0x80, $0x38;
	[tilespmem:$0x8200] =	vst v63  }
0x57: {  	_ =	swait.ge [sflag:s2], $0x80  }
0x58: {  	[sflag:s2] =	ssyncset.done $0x0  }
0x59: {  	[sflag:s2] =	ssyncadd.s32 $0xFFFFFF80  }
0x5a: {  	[tilespmem:s4], [sflag:$0x2] =	stream.linear.gather [hbm4b:s16+s5], $0x80, $0x38;
	[tilespmem:$0x8200] =	vst v63  }
0x5b: {  	_ =	swait.ge [sflag:s2], $0x80  }
0x5c: {  	[sflag:s2] =	ssyncset.done $0x0  }
0x5d: {  	[sflag:s2] =	ssyncadd.s32 $0xFFFFFF80  }
0x5e: {  	[tilespmem:s6], [sflag:$0x2] =	stream.linear.gather [hbm4b:s17+s5], $0x80, $0x38;
	[tilespmem:$0x8200] =	vst v63  }
0x5f: {  	_ =	swait.ge [sflag:s2], $0x80  }
0x60: {  	[sflag:s2] =	ssyncset.done $0x0  }
0x61: {  	[sflag:s2] =	ssyncadd.s32 $0xFFFFFF80  }
0x62: {  	[tilespmem:s9], [sflag:$0x2] =	stream.linear.gather [hbm4b:s18+s5], $0x80, $0x38;
	[tilespmem:$0x8200] =	vst v63  }
.Ltmp1:
0x63: {  	_ =	swait.ge [sflag:s2], $0x80;
	(pc) =	sbr.rel @p0 .LBB2_1-.Ltmp1, $4  }
0x64: {  	[sflag:s2] =	ssyncset.done $0x0  }
0x65: {  	[sflag:s2] =	ssyncadd.s32 $0xFFFFFF80  }
0x66: {  	v0 =	vld [tilespmem:$0x1C0]  }
0x67: {  	v1 =	vld [tilespmem:$0x1D0]  }
.LBB2_2:
0x68: {  	v2 =	vld [tilespmem:$0x1E0]  }
0x69: {  	v3 =	vld [tilespmem:$0x20]  }
0x6a: {  	v4 =	vld [tilespmem:$0x130]  }
0x6b: {  	v5 =	vld [tilespmem:$0x1F0];
	v0 =	vshll.u32 v0, $0x1  }
0x6c: {  	v6 =	vld [tilespmem:$0x1B0];
	v1 =	vshll.u32 v1, $0x1;
	[tilespmem:$0x1C0] =	vst v0  }
0x6d: {  	v23 =	vld [tilespmem:$0x190];
	v2 =	vshll.u32 v2, $0x1;
	[tilespmem:$0x1D0] =	vst v1  }
0x6e: {  	v25 =	vld [tilespmem:$0x40];
	v3 =	vshll.u32 v3, $0x1;
	[tilespmem:$0x1E0] =	vst v2  }
0x6f: {  	v26 =	vld [tilespmem:$0x50];
	v24 =	vshll.u32 v4, $0x1;
	[tilespmem:$0x20] =	vst v3  }
0x70: {  	v28 =	vld [tilespmem:$0x60];
	v27 =	vshll.u32 v5, $0x1;
	[tilespmem:$0x130] =	vst v24  }
0x71: {  	v29 =	vld [tilespmem:$0x70];
	v6 =	vshll.u32 v6, $0x1;
	[tilespmem:$0x1F0] =	vst v27  }
0x72: {  	v30 =	vld [tilespmem:$0x160];
	v31 =	vshll.u32 v23, $0x1;
	[tilespmem:$0x1B0] =	vst v6  }
0x73: {  	v35 =	vld [tilespmem:$0xA0];
	v4 =	vshll.u32 v25, $0x1;
	[tilespmem:$0x190] =	vst v31  }
0x74: {  	v37 =	vld [tilespmem:$0x150];
	v0 =	vshll.u32 v26, $0x1;
	[tilespmem:$0x40] =	vst v4  }
0x75: {  	v38 =	vld [tilespmem:$0x90];
	v34 =	vshll.u32 v28, $0x1;
	[tilespmem:$0x50] =	vst v0  }
0x76: {  	v40 =	vld [tilespmem:$0x140];
	v36 =	vshll.u32 v29, $0x1;
	[tilespmem:$0x60] =	vst v34  }
0x77: {  	v44 =	vld [tilespmem:$0x30];
	v39 =	vshll.u32 v30, $0x1;
	[tilespmem:$0x70] =	vst v36  }
0x78: {  	v46 =	vld [tilespmem:$0x120];
	v42 =	vshll.u32 v35, $0x1;
	[tilespmem:$0x160] =	vst v39  }
0x79: {  	v49 =	vld [tilespmem:$0x110];
	v1 =	vshll.u32 v37, $0x1;
	[tilespmem:$0xA0] =	vst v42  }
0x7a: {  	v52 =	vld [tilespmem:$0x100];
	v45 =	vshll.u32 v38, $0x1;
	[tilespmem:$0x150] =	vst v1  }
0x7b: {  	v53 =	vld [tilespmem:$0x10];
	v48 =	vshll.u32 v40, $0x1;
	[tilespmem:$0x90] =	vst v45  }
0x7c: {  	v55 =	vld [tilespmem:$0x0];
	v51 =	vshll.u32 v44, $0x1;
	[tilespmem:$0x140] =	vst v48  }
0x7d: {  	v57 =	vld [tilespmem:$0x1A0];
	v54 =	vshll.u32 v46, $0x1;
	[tilespmem:$0x30] =	vst v51  }
0x7e: {  	v58 =	vld [tilespmem:$0xF0];
	v56 =	vshll.u32 v49, $0x1;
	[tilespmem:$0x120] =	vst v54  }
0x7f: {  	v22 =	vld [tilespmem:$0x170];
	v59 =	vshll.u32 v52, $0x1;
	[tilespmem:$0x110] =	vst v56  }
0x80: {  	v32 =	vld [tilespmem:$0x80];
	v60 =	vshll.u32 v53, $0x1;
	[tilespmem:$0x100] =	vst v59  }
0x81: {  	v41 =	vld [tilespmem:$0xC0];
	v61 =	vshll.u32 v55, $0x1;
	[tilespmem:$0x10] =	vst v60  }
0x82: {  	v43 =	vld [tilespmem:$0xB0];
	v62 =	vshll.u32 v57, $0x1;
	[tilespmem:$0x0] =	vst v61  }
0x83: {  	v47 =	vld [tilespmem:$0xE0];
	v63 =	vshll.u32 v58, $0x1;
	[tilespmem:$0x1A0] =	vst v62  }
0x84: {  	v33 =	vld [tilespmem:$0x180];
	v2 =	vshll.u32 v22, $0x1;
	[tilespmem:$0xF0] =	vst v63  }
0x85: {  	v50 =	vld [tilespmem:$0xD0];
	v3 =	vshll.u32 v32, $0x1;
	[tilespmem:$0x170] =	vst v2  }
0x86: {  	v0 =	vshll.u32 v41, $0x1;
	[tilespmem:$0x80] =	vst v3  }
0x87: {  	v4 =	vshll.u32 v43, $0x1;
	[tilespmem:$0xC0] =	vst v0  }
0x88: {  	v1 =	vshll.u32 v47, $0x1;
	[tilespmem:$0xB0] =	vst v4  }
0x89: {  	v2 =	vshll.u32 v33, $0x1;
	[tilespmem:$0xE0] =	vst v1  }
0x8a: {  	v3 =	vshll.u32 v50, $0x1;
	[tilespmem:$0x180] =	vst v2  }
0x8b: {  	[tilespmem:$0xD0] =	vst v3  }
0x8c: {  	[tilespmem:s8], [sflag:$0x1] =	stream.indirect.gather [hbm4b:s3+s4], $0x40, s5, s4, $0xb8;
	[tilespmem:$0x8200] =	vst v63  }
0x8d: {  	_ = 	snop  }
0x8e: {  	[tilespmem:s12], [sflag:$0x1] =	stream.indirect.gather [hbm4b:s3+s4], $0x40, s4, s4, $0xb8;
	[tilespmem:$0x8200] =	vst v63  }
0x8f: {  	_ = 	snop  }
0x90: {  	[tilespmem:s13], [sflag:$0x1] =	stream.indirect.gather [hbm4b:s3+s4], $0x40, s6, s4, $0xb8;
	[tilespmem:$0x8200] =	vst v63  }
0x91: {  	_ = 	snop  }
0x92: {  	[tilespmem:s14], [sflag:$0x1] =	stream.indirect.gather [hbm4b:s3+s4], $0x40, s9, s4, $0xb8;
	[tilespmem:$0x8200] =	vst v63  }
0x93: {  	_ =	swait.ge [sflag:s10], $0x2000  }
0x94: {  	[sflag:s10] =	ssyncset.done $0x0  }
0x95: {  	[sflag:s10] =	ssyncadd.s32 $0xFFFFE000  }
0x96: {  	_ =	swait.ge [sflag:s10], $0x2000  }
0x97: {  	[sflag:s10] =	ssyncset.done $0x0  }
0x98: {  	[sflag:s10] =	ssyncadd.s32 $0xFFFFE000  }
0x99: {  	_ =	swait.ge [sflag:s10], $0x2000  }
0x9a: {  	[sflag:s10] =	ssyncset.done $0x0  }
0x9b: {  	[sflag:s10] =	ssyncadd.s32 $0xFFFFE000  }
0x9c: {  	_ =	swait.ge [sflag:s10], $0x2000  }
0x9d: {  	[sflag:s10] =	ssyncset.done $0x0  }
0x9e: {  	[sflag:s10] =	ssyncadd.s32 $0xFFFFE000  }
0x9f: {  	[hbm4b:s7+s11] =	stream.strided.scatter [tilespmem:s8], [sflag:$0x2], $0x8000, s4, s11, $0x38;
	[tilespmem:$0x8200] =	vst v63  }
0xa0: {  	_ =	swait.ge [sflag:s2], $0x8000  }
0xa1: {  	[sflag:s2] =	ssyncset.done $0x0  }
0xa2: {  	[sflag:s2] =	ssyncadd.s32 $0xFFFF8000  }
0xa3: {  	_ =	sfence.sel $0x180000  }
0xa4: {  	[bflag:$0x0] =	sbarrier.arrive $0xFFFF  }
0xa5: {  	p0 =	sne.s32 s0, $0x0;
	_ =	strace $0x90000047  }
0xa6: {  	s0 =	sadd.s32 @!p0 $0x100000, s1;
	[bflag:$0x2] =	sbarrier.arrive $0xFFFF  }
0xa7: {  	[sflag:s0] =	ssyncadd.tile.s32 @!p0 $0x1;
	_ =	shalt  }
.Lfunc_end2:
_tile_overlayer_lowered:
.L_overlay_start_2:
0xa8: {  	(tag) =	ssettag $0x2  }
0xa9: {  	s0 =	rddreg [dreg:$0x0];
	s2 =	stileid.u32  }
0xaa: {  	s1 =	rddreg [dreg:$0x1];
	p0 =	sne.s32 s2, $0x0  }
0xab: {  	s3 =	rddreg [dreg:$0x2];
	[bflag:$0x3] =	sbarrier.arrive $0xFFFF;
	s2 =	simm.s32 @!p0 $0x1C02  }
0xac: {  	[timem:s3], [sflag:s2] =	dma.local @!p0 [hbm:s0], s1  }
0xad: {  	s0 =	simm.s32 @!p0 $0x2  }
0xae: {  	_ =	swait.ge @!p0 [sflag:s0], s1  }
0xaf: {  	s1 =	ssub.s32 @!p0 $0x0, s1;
	[sflag:s0] =	ssyncset.done @!p0 $0x0  }
0xb0: {  	[sflag:s0] =	ssyncadd.s32 @!p0 s1  }
0xb1: {  	[bflag:$0x3] =	sbarrier.arrive $0xFFFF  }
0xb2: {  	_ =	shalt  }

</sc_bundles>
